<compile_context>
chip_gen: v7x
topology: tpu7x:2x2x1
jax: 0.10.2.dev20260603
libtpu: 0.0.44.dev20260713+nightly
codegen_flags: <defaults>
</compile_context>

<pallas_src>
import functools

import jax
import jax.numpy as jnp
from jax import lax
from jax.experimental import pallas as pl
from jax.experimental.pallas import tpu as pltpu
from jax.experimental.pallas import tpu_sc as plsc

_N = 32768
_B = 128
_C = _N // 16
_KMAX = 64
_ROWS_PER = _B // 32
_INT_MIN = -2147483648
_INT_MAX = 2147483647


def _sc_run(scores_hbm, k_hbm, out_hbm, row_v, keys_v, ccols_v, hist_v, k_v):
    info = plsc.get_sparse_core_info()
    nc = info.num_cores
    wid = lax.axis_index("s") * nc + lax.axis_index("c")

    pltpu.sync_copy(k_hbm, k_v)
    kkv = k_v[...]
    lane = lax.iota(jnp.int32, 16)
    laneoff = lane * 256 + 128
    ones = jnp.ones((16,), jnp.int32)
    z16 = jnp.zeros((16,), jnp.int32)

    def do_row(r, _):
        row = wid * _ROWS_PER + r
        pltpu.sync_copy(scores_hbm.at[row], row_v)

        @plsc.parallel_loop(0, 256, unroll=8)
        def _zstep(i):
            hist_v[pl.ds(i * 16, 16)] = z16
        keys_v[pl.ds(_N, 16)] = z16 + jnp.int32(_INT_MAX)

        @plsc.parallel_loop(0, _C, unroll=4)
        def _p1(i):
            v = row_v[pl.ds(i * 16, 16)]
            b = plsc.bitcast(v, jnp.int32)
            key = jnp.where(b < 0, b ^ jnp.int32(0x7FFFFFFF), b)
            keys_v[pl.ds(i * 16, 16)] = key
            idx = laneoff + lax.shift_right_arithmetic(key, 24)
            plsc.addupdate_scatter(hist_v, [idx], ones)

        def hr(g, carry):
            runv, bcnt, cbv = carry
            def hsum(l, a):
                return a + hist_v[pl.ds(l * 256 + g * 16, 16)]
            acc = lax.fori_loop(0, 16, hsum, z16)
            cum = runv + plsc.cumsum(acc)
            ltk = cum < kkv
            bcnt = bcnt + ltk.astype(jnp.int32)
            cbv = jnp.maximum(cbv, jnp.where(ltk, cum, 0))
            runv = plsc.cummax(lax.rev(cum, (0,)))
            return runv, bcnt, cbv
        _, bcnt, cbv = lax.fori_loop(0, 16, hr, (z16, z16, z16))
        bs8 = jnp.sum(bcnt) - 128
        c_below = jnp.max(cbv)
        bs8v = z16 + bs8

        @plsc.parallel_loop(0, _C, unroll=4, carry=z16)
        def runv2(i, rv):
            key = keys_v[pl.ds(i * 16, 16)]
            match = lax.shift_right_arithmetic(key, 24) == bs8v
            pf = plsc.cumsum(match.astype(jnp.int32))
            pos = jnp.maximum(rv + pf - 1, 0)
            plsc.store_scatter(ccols_v, [pos], lane + i * 16, mask=match)
            return rv + plsc.all_reduce_population_count(match)
        m_count = jnp.max(runv2)
        plsc.store_scatter(ccols_v, [m_count + lane], z16 + jnp.int32(_N))

        nv = lax.shift_right_logical(m_count + 15, 4)
        kbv = kkv - c_below
        def vstep(j, lo):
            mid = lo + lax.shift_left(jnp.int32(1), 23 - j)
            @plsc.parallel_loop(0, nv, unroll=2, carry=z16)
            def acc(i, a):
                cols = ccols_v[pl.ds(i * 16, 16)]
                ck = plsc.load_gather(keys_v, [cols])
                return a + plsc.all_reduce_population_count(ck < mid)
            return jnp.where(acc >= kbv, lo, mid)
        lo0 = z16 + lax.shift_left(bs8, 24)
        t = lax.fori_loop(0, 24, vstep, lo0)

        @plsc.parallel_loop(0, nv, unroll=2, carry=z16)
        def c_less_in(i, a):
            cols = ccols_v[pl.ds(i * 16, 16)]
            ck = plsc.load_gather(keys_v, [cols])
            return a + plsc.all_reduce_population_count(ck < t)
        mv = kbv - c_less_in
        def jstep(i, carry):
            run3, jv = carry
            cols = ccols_v[pl.ds(i * 16, 16)]
            ck = plsc.load_gather(keys_v, [cols])
            eq = ck == t
            pf = run3 + plsc.cumsum(eq.astype(jnp.int32))
            jv = jnp.maximum(jv, jnp.where(eq & (pf <= mv), cols, -1))
            return run3 + plsc.all_reduce_population_count(eq), jv
        _, jv = lax.fori_loop(0, nv, jstep, (z16, z16 - 1))
        jmax = plsc.cummax(lax.rev(plsc.cummax(jv), (0,)))

        tv = jnp.where(kkv > 0, t, z16 + jnp.int32(_INT_MIN))
        jvv = jnp.where(kkv > 0, jmax, z16 - 1)

        @plsc.parallel_loop(0, _C, unroll=4)
        def _p3(i):
            key = keys_v[pl.ds(i * 16, 16)]
            col = lane + i * 16
            keep = (key < tv) | ((key == tv) & (col <= jvv))
            x = row_v[pl.ds(i * 16, 16)]
            row_v[pl.ds(i * 16, 16)] = jnp.where(keep, x,
                                                 jnp.float32(-jnp.inf))

        pltpu.sync_copy(row_v, out_hbm.at[row])
        return 0

    lax.fori_loop(0, _ROWS_PER, do_row, 0)


def kernel(scores, k):
    kk = jnp.broadcast_to(
        jnp.clip(jnp.asarray(k, jnp.int32), 0, _KMAX), (16,))
    mesh = plsc.VectorSubcoreMesh(core_axis_name="c", subcore_axis_name="s")
    run = functools.partial(
        pl.kernel,
        mesh=mesh,
        compiler_params=pltpu.CompilerParams(needs_layout_passes=False),
        out_type=jax.ShapeDtypeStruct((_B, _N), jnp.float32),
        scratch_types=[
            pltpu.VMEM((_N,), jnp.float32),
            pltpu.VMEM((_N + 16,), jnp.int32),
            pltpu.VMEM((_N + 16,), jnp.int32),
            pltpu.VMEM((16 * 256,), jnp.int32),
            pltpu.VMEM((16,), jnp.int32),
        ],
    )(_sc_run)
    return run(scores, kk)

# --- scband reference (transcript-rebuilt; emitter-appended) ---
"""Pipeline reference for scband-ada-mh-14379550507160 (READ-ONLY COPY).

The authoritative reference and input builder live on the scoring server;
editing this copy changes nothing except your own understanding.
"""

import jax, jax.numpy as jnp
import numpy as np


def setup_inputs(seed: int = 0) -> dict:
    key = jax.random.key(seed)
    scores = jax.random.normal(key, (128, 32768), dtype=jnp.float32)
    return {"scores": scores, "k": 64}


def reference(scores, k):
    # Faithful to GraphDataProcessor.sample_neighbors: argsort weights ascending
    # and keep the k SMALLEST-weight candidates (sorted_node_indices[:samples]),
    # masking out everything else. Implemented as a vectorized top-k of the
    # negated scores followed by a scatter-built keep-mask.
    neg = -scores
    K = 64
    _, idx = jax.lax.top_k(neg, K)  # indices of the k smallest scores per row
    keep = jnp.arange(K) < k
    B = scores.shape[0]
    rows = jnp.arange(B)[:, None]
    mask = jnp.zeros(scores.shape, dtype=bool).at[rows, idx].set(
        jnp.broadcast_to(keep[None, :], idx.shape)
    )
    masked = jnp.where(mask, scores, jnp.full_like(scores, -jnp.inf))
    return masked

if __name__ == "__main__":
    import jax
    _d = setup_inputs()
    print(jax.jit(kernel)(*tuple(_d.values())))

</pallas_src>

<mosaic_0001>
#map = affine_map<(d0, d1) -> (0, 0)>
#map1 = affine_map<(d0, d1) -> (0)>
module attributes {stable_mosaic.version = 14 : i64} {
  func.func @_sc_run(%arg0: i32, %arg1: i32, %arg2: memref<128x32768xf32, #tpu.memory_space<hbm>>, %arg3: memref<16xi32, #tpu.memory_space<hbm>>, %arg4: memref<128x32768xf32, #tpu.memory_space<hbm>>, %arg5: memref<32768xf32, #tpu.memory_space<vmem>>, %arg6: memref<32784xi32, #tpu.memory_space<vmem>>, %arg7: memref<32784xi32, #tpu.memory_space<vmem>>, %arg8: memref<4096xi32, #tpu.memory_space<vmem>>, %arg9: memref<16xi32, #tpu.memory_space<vmem>>) attributes {dimension_semantics = [#tpu.dimension_semantics<core_parallel>, #tpu.dimension_semantics<subcore_parallel>], iteration_bounds = array<i64: 2, 16>, scalar_prefetch = 0 : i64, scratch_operands = 5 : i64, tpu.core_type = #tpu.core_type<sc_vector_subcore>, window_params = [{transform_indices = #map}, {transform_indices = #map1}, {transform_indices = #map}]} {
    %mul3A = arith.constant 2 : i32
    %mul3A_0 = arith.muli %arg1, %mul3A : i32
    %add3A = arith.addi %mul3A_0, %arg0 : i32
    "tpu.region"() ({
      %run_scoped3A = tpu.sem_alloc : memref<!tpu.dma_semaphore, #tpu.memory_space<semaphore_mem>>
      tpu.enqueue_dma source(%arg3 : memref<16xi32, #tpu.memory_space<hbm>>) target(%arg9 : memref<16xi32, #tpu.memory_space<vmem>>) target_semaphore(%run_scoped3A : memref<!tpu.dma_semaphore, #tpu.memory_space<semaphore_mem>>)
      tpu.wait_dma2 semaphore(%run_scoped3A : memref<!tpu.dma_semaphore, #tpu.memory_space<semaphore_mem>>) src(%arg3 : memref<16xi32, #tpu.memory_space<hbm>>) dst(%arg9 : memref<16xi32, #tpu.memory_space<vmem>>)
      tpu.yield
    }) : () -> ()
    %get3A = arith.constant 0 : index
    %get3A_1 = tpu.vector_load %arg9[%get3A] {strides = array<i32>} : memref<16xi32, #tpu.memory_space<vmem>>, vector<16xi32>,
    %iota3A = tpu.iota {dimensions = array<i32: 0>} : vector<16xi32>
    %mul3A_2 = arith.constant 256 : i32
    %mul3A_3 = vector.broadcast %mul3A_2 : i32 to vector<16xi32>
    %mul3A_4 = arith.muli %iota3A, %mul3A_3 : vector<16xi32>
    %add3A_5 = arith.constant 128 : i32
    %add3A_6 = vector.broadcast %add3A_5 : i32 to vector<16xi32>
    %add3A_7 = arith.addi %mul3A_4, %add3A_6 : vector<16xi32>
    %broadcast_in_dim3A = arith.constant 1 : i32
    %broadcast_in_dim3A_8 = vector.broadcast %broadcast_in_dim3A : i32 to vector<16xi32>
    %broadcast_in_dim3A_9 = arith.constant 0 : i32
    %broadcast_in_dim3A_10 = vector.broadcast %broadcast_in_dim3A_9 : i32 to vector<16xi32>
    %scan3A = arith.constant 0 : i32
    %scan3A_11 = arith.constant 0 : i32
    %scan3A_12 = arith.constant 4 : i32
    %scan3A_13 = arith.addi %scan3A_11, %scan3A_12 : i32
    %scan3A_14 = arith.constant 1 : i32
    %scan3A_15 = scf.for %scan3A_17 = %scan3A_11 to %scan3A_13 step %scan3A_14 iter_args(%scan3A_18 = %scan3A) -> (i32)  : i32 {
      %mul3A_19 = arith.constant 4 : i32
      %mul3A_20 = arith.muli %add3A, %mul3A_19 : i32
      %add3A_21 = arith.addi %mul3A_20, %scan3A_17 : i32
      "tpu.region"() ({
        %run_scoped3A = tpu.sem_alloc : memref<!tpu.dma_semaphore, #tpu.memory_space<semaphore_mem>>
        %dma_start3A = arith.constant 0 : i32
        %dma_start3A_131 = tpu.memref_slice %arg2[%add3A_21, %dma_start3A] : memref<128x32768xf32, #tpu.memory_space<hbm>> -> memref<1x32768xf32, #tpu.memory_space<hbm>>
        %dma_start3A_132 = tpu.memref_squeeze %dma_start3A_131 : memref<1x32768xf32, #tpu.memory_space<hbm>> -> memref<32768xf32, #tpu.memory_space<hbm>>
        %dma_start3A_133 = arith.constant 0 : i32
        %dma_start3A_134 = tpu.memref_slice %arg2[%add3A_21, %dma_start3A_133] : memref<128x32768xf32, #tpu.memory_space<hbm>> -> memref<1x32768xf32, #tpu.memory_space<hbm>>
        %dma_start3A_135 = tpu.memref_squeeze %dma_start3A_134 : memref<1x32768xf32, #tpu.memory_space<hbm>> -> memref<32768xf32, #tpu.memory_space<hbm>>
        tpu.enqueue_dma source(%dma_start3A_135 : memref<32768xf32, #tpu.memory_space<hbm>>) target(%arg5 : memref<32768xf32, #tpu.memory_space<vmem>>) target_semaphore(%run_scoped3A : memref<!tpu.dma_semaphore, #tpu.memory_space<semaphore_mem>>)
        %dma_wait3A = arith.constant 0 : i32
        %dma_wait3A_136 = tpu.memref_slice %arg2[%add3A_21, %dma_wait3A] : memref<128x32768xf32, #tpu.memory_space<hbm>> -> memref<1x32768xf32, #tpu.memory_space<hbm>>
        %dma_wait3A_137 = tpu.memref_squeeze %dma_wait3A_136 : memref<1x32768xf32, #tpu.memory_space<hbm>> -> memref<32768xf32, #tpu.memory_space<hbm>>
        %dma_wait3A_138 = arith.constant 0 : i32
        %dma_wait3A_139 = tpu.memref_slice %arg2[%add3A_21, %dma_wait3A_138] : memref<128x32768xf32, #tpu.memory_space<hbm>> -> memref<1x32768xf32, #tpu.memory_space<hbm>>
        %dma_wait3A_140 = tpu.memref_squeeze %dma_wait3A_139 : memref<1x32768xf32, #tpu.memory_space<hbm>> -> memref<32768xf32, #tpu.memory_space<hbm>>
        tpu.wait_dma2 semaphore(%run_scoped3A : memref<!tpu.dma_semaphore, #tpu.memory_space<semaphore_mem>>) src(%dma_wait3A_140 : memref<32768xf32, #tpu.memory_space<hbm>>) dst(%arg5 : memref<32768xf32, #tpu.memory_space<vmem>>)
        tpu.yield
      }) : () -> ()
      %parallel_loop3A = arith.constant 0 : i32
      %parallel_loop3A_22 = arith.constant 256 : i32
      %parallel_loop3A_23 = arith.constant 1 : i32
      scf.for %parallel_loop3A_131 = %parallel_loop3A to %parallel_loop3A_22 step %parallel_loop3A_23  : i32 {
        %parallel_loop3A_132 = arith.constant 16 : i32
        %parallel_loop3A_133 = arith.muli %parallel_loop3A_131, %parallel_loop3A_132 : i32
        %parallel_loop3A_134 = arith.index_cast %parallel_loop3A_133 : i32 to index
        %parallel_loop3A_135 = tpu.vector_load %arg8[%parallel_loop3A_134] {strides = array<i32>} : memref<4096xi32, #tpu.memory_space<vmem>>, vector<16xi32>,
        tpu.vector_store %arg8[%parallel_loop3A_134], %broadcast_in_dim3A_10 {strides = array<i32>} : memref<4096xi32, #tpu.memory_space<vmem>>, vector<16xi32>,
      } {sc.loop_unroll_factor = 8 : i64, sc.parallel_access}
      %add3A_24 = arith.constant 2147483647 : i32
      %add3A_25 = vector.broadcast %add3A_24 : i32 to vector<16xi32>
      %add3A_26 = arith.addi %broadcast_in_dim3A_10, %add3A_25 : vector<16xi32>
      %swap3A = arith.constant 32768 : index
      %swap3A_27 = tpu.vector_load %arg6[%swap3A] {strides = array<i32>} : memref<32784xi32, #tpu.memory_space<vmem>>, vector<16xi32>,
      tpu.vector_store %arg6[%swap3A], %add3A_26 {strides = array<i32>} : memref<32784xi32, #tpu.memory_space<vmem>>, vector<16xi32>,
      %parallel_loop3A_28 = arith.constant 0 : i32
      %parallel_loop3A_29 = arith.constant 2048 : i32
      %parallel_loop3A_30 = arith.constant 1 : i32
      scf.for %parallel_loop3A_131 = %parallel_loop3A_28 to %parallel_loop3A_29 step %parallel_loop3A_30  : i32 {
        %parallel_loop3A_132 = arith.constant 16 : i32
        %parallel_loop3A_133 = arith.muli %parallel_loop3A_131, %parallel_loop3A_132 : i32
        %parallel_loop3A_134 = arith.index_cast %parallel_loop3A_133 : i32 to index
        %parallel_loop3A_135 = tpu.vector_load %arg5[%parallel_loop3A_134] {strides = array<i32>} : memref<32768xf32, #tpu.memory_space<vmem>>, vector<16xf32>,
        %parallel_loop3A_136 = vector.bitcast %parallel_loop3A_135 : vector<16xf32> to vector<16xi32>
        %parallel_loop3A_137 = arith.constant 0 : i32
        %parallel_loop3A_138 = vector.broadcast %parallel_loop3A_137 : i32 to vector<16xi32>
        %parallel_loop3A_139 = arith.cmpi slt, %parallel_loop3A_136, %parallel_loop3A_138 : vector<16xi32>
        %parallel_loop3A_140 = arith.constant 2147483647 : i32
        %parallel_loop3A_141 = vector.broadcast %parallel_loop3A_140 : i32 to vector<16xi32>
        %parallel_loop3A_142 = arith.xori %parallel_loop3A_136, %parallel_loop3A_141 : vector<16xi32>
        %parallel_loop3A_143 = arith.select %parallel_loop3A_139, %parallel_loop3A_142, %parallel_loop3A_136 : vector<16xi1>, vector<16xi32>
        %parallel_loop3A_144 = arith.constant 16 : i32
        %parallel_loop3A_145 = arith.muli %parallel_loop3A_131, %parallel_loop3A_144 : i32
        %parallel_loop3A_146 = arith.index_cast %parallel_loop3A_145 : i32 to index
        %parallel_loop3A_147 = tpu.vector_load %arg6[%parallel_loop3A_146] {strides = array<i32>} : memref<32784xi32, #tpu.memory_space<vmem>>, vector<16xi32>,
        tpu.vector_store %arg6[%parallel_loop3A_146], %parallel_loop3A_143 {strides = array<i32>} : memref<32784xi32, #tpu.memory_space<vmem>>, vector<16xi32>,
        %parallel_loop3A_148 = arith.constant 24 : i32
        %parallel_loop3A_149 = vector.broadcast %parallel_loop3A_148 : i32 to vector<16xi32>
        %parallel_loop3A_150 = arith.shrsi %parallel_loop3A_143, %parallel_loop3A_149 : vector<16xi32>
        %parallel_loop3A_151 = arith.addi %add3A_7, %parallel_loop3A_150 : vector<16xi32>
        tpu.vector_store_idx %arg8[%parallel_loop3A_151], %broadcast_in_dim3A_8 {add = true} : memref<4096xi32, #tpu.memory_space<vmem>>[vector<16xi32>], vector<16xi32>,
      } {sc.loop_unroll_factor = 4 : i64, sc.parallel_access}
      %scan3A_31 = arith.constant 0 : i32
      %scan3A_32 = arith.constant 16 : i32
      %scan3A_33 = arith.addi %scan3A_31, %scan3A_32 : i32
      %scan3A_34 = arith.constant 1 : i32
      %scan3A_35:3 = scf.for %scan3A_131 = %scan3A_31 to %scan3A_33 step %scan3A_34 iter_args(%scan3A_132 = %broadcast_in_dim3A_10, %scan3A_133 = %broadcast_in_dim3A_10, %scan3A_134 = %broadcast_in_dim3A_10) -> (vector<16xi32>, vector<16xi32>, vector<16xi32>)  : i32 {
        %scan3A_135 = arith.constant 0 : i32
        %scan3A_136 = arith.constant 16 : i32
        %scan3A_137 = arith.addi %scan3A_135, %scan3A_136 : i32
        %scan3A_138 = arith.constant 1 : i32
        %scan3A_139 = scf.for %scan3A_159 = %scan3A_135 to %scan3A_137 step %scan3A_138 iter_args(%scan3A_160 = %broadcast_in_dim3A_10) -> (vector<16xi32>)  : i32 {
          %mul3A_161 = arith.constant 256 : i32
          %mul3A_162 = arith.muli %scan3A_159, %mul3A_161 : i32
          %mul3A_163 = arith.constant 16 : i32
          %mul3A_164 = arith.muli %scan3A_131, %mul3A_163 : i32
          %add3A_165 = arith.addi %mul3A_162, %mul3A_164 : i32
          %get3A_166 = arith.index_cast %add3A_165 : i32 to index
          %get3A_167 = tpu.vector_load %arg8[%get3A_166] {strides = array<i32>} : memref<4096xi32, #tpu.memory_space<vmem>>, vector<16xi32>,
          %add3A_168 = arith.addi %scan3A_160, %get3A_167 : vector<16xi32>
          scf.yield %add3A_168 : vector<16xi32>
        }
        %scan3A_140 = arith.constant 16 : i32
        %broadcast_in_dim3A_141 = arith.constant true
        %broadcast_in_dim3A_142 = vector.broadcast %broadcast_in_dim3A_141 : i1 to vector<16xi1>
        %masked_cumsum3A = tpu.scan <sum>, %scan3A_139 masked %broadcast_in_dim3A_142 : vector<16xi32>, vector<16xi1> -> vector<16xi32>
        %add3A_143 = arith.addi %scan3A_132, %masked_cumsum3A : vector<16xi32>
        %lt3A = arith.cmpi slt, %add3A_143, %get3A_1 : vector<16xi32>
        %convert_element_type3A = arith.extui %lt3A : vector<16xi1> to vector<16xi32>
        %add3A_144 = arith.addi %scan3A_133, %convert_element_type3A : vector<16xi32>
        %jit3A = arith.constant 0 : i32
        %broadcast_in_dim3A_145 = vector.broadcast %jit3A : i32 to vector<16xi32>
        %select_n3A_146 = arith.select %lt3A, %add3A_143, %broadcast_in_dim3A_145 : vector<16xi1>, vector<16xi32>
        %max3A = arith.maxsi %scan3A_134, %select_n3A_146 : vector<16xi32>
        %rev3A_147 = arith.constant 15 : i32
        %rev3A_148 = vector.broadcast %rev3A_147 : i32 to vector<16xi32>
        %rev3A_149 = tpu.iota {dimensions = array<i32: 0>} : vector<16xi32>
        %rev3A_150 = arith.subi %rev3A_148, %rev3A_149 : vector<16xi32>
        %rev3A_151 = tpu.dynamic_gather %add3A_143[%rev3A_150] in [0] : vector<16xi32>, vector<16xi32> -> vector<16xi32>
        %broadcast_in_dim3A_152 = arith.constant true
        %broadcast_in_dim3A_153 = vector.broadcast %broadcast_in_dim3A_152 : i1 to vector<16xi1>
        %masked_cummax3A_154 = arith.constant -2147483648 : i32
        %masked_cummax3A_155 = vector.broadcast %masked_cummax3A_154 : i32 to vector<16xi32>
        %masked_cummax3A_156 = arith.xori %rev3A_151, %masked_cummax3A_155 : vector<16xi32>
        %masked_cummax3A_157 = tpu.scan <max>, %masked_cummax3A_156 masked %broadcast_in_dim3A_153 : vector<16xi32>, vector<16xi1> -> vector<16xi32>
        %masked_cummax3A_158 = arith.xori %masked_cummax3A_157, %masked_cummax3A_155 : vector<16xi32>
        scf.yield %masked_cummax3A_158, %add3A_144, %max3A : vector<16xi32>, vector<16xi32>, vector<16xi32>
      }
      %scan3A_36 = arith.constant 16 : i32
      %reduce_sum3A = arith.constant true
      %reduce_sum3A_37 = vector.broadcast %reduce_sum3A : i1 to vector<16xi1>
      %reduce_sum3A_38 = tpu.scan <sum>, %scan3A_35#1 masked %reduce_sum3A_37 : vector<16xi32>, vector<16xi1> -> vector<16xi32>
      %reduce_sum3A_39 = vector.extract %reduce_sum3A_38[15] : i32 from vector<16xi32>
      %sub3A = arith.constant 128 : i32
      %sub3A_40 = arith.subi %reduce_sum3A_39, %sub3A : i32
      %reduce_max3A = arith.constant true
      %reduce_max3A_41 = vector.broadcast %reduce_max3A : i1 to vector<16xi1>
      %reduce_max3A_42 = arith.constant -2147483648 : i32
      %reduce_max3A_43 = vector.broadcast %reduce_max3A_42 : i32 to vector<16xi32>
      %reduce_max3A_44 = arith.xori %scan3A_35#2, %reduce_max3A_43 : vector<16xi32>
      %reduce_max3A_45 = tpu.scan <max>, %reduce_max3A_44 masked %reduce_max3A_41 : vector<16xi32>, vector<16xi1> -> vector<16xi32>
      %reduce_max3A_46 = arith.xori %reduce_max3A_45, %reduce_max3A_43 : vector<16xi32>
      %reduce_max3A_47 = vector.extract %reduce_max3A_46[15] : i32 from vector<16xi32>
      %add3A_48 = vector.broadcast %sub3A_40 : i32 to vector<16xi32>
      %add3A_49 = arith.addi %broadcast_in_dim3A_10, %add3A_48 : vector<16xi32>
      %parallel_loop3A_50 = arith.constant 0 : i32
      %parallel_loop3A_51 = arith.constant 2048 : i32
      %parallel_loop3A_52 = arith.constant 1 : i32
      %parallel_loop3A_53 = scf.for %parallel_loop3A_131 = %parallel_loop3A_50 to %parallel_loop3A_51 step %parallel_loop3A_52 iter_args(%parallel_loop3A_132 = %broadcast_in_dim3A_10) -> (vector<16xi32>)  : i32 {
        %parallel_loop3A_133 = arith.constant 16 : i32
        %parallel_loop3A_134 = arith.muli %parallel_loop3A_131, %parallel_loop3A_133 : i32
        %parallel_loop3A_135 = arith.index_cast %parallel_loop3A_134 : i32 to index
        %parallel_loop3A_136 = tpu.vector_load %arg6[%parallel_loop3A_135] {strides = array<i32>} : memref<32784xi32, #tpu.memory_space<vmem>>, vector<16xi32>,
        %parallel_loop3A_137 = arith.constant 24 : i32
        %parallel_loop3A_138 = vector.broadcast %parallel_loop3A_137 : i32 to vector<16xi32>
        %parallel_loop3A_139 = arith.shrsi %parallel_loop3A_136, %parallel_loop3A_138 : vector<16xi32>
        %parallel_loop3A_140 = arith.cmpi eq, %parallel_loop3A_139, %add3A_49 : vector<16xi32>
        %parallel_loop3A_141 = arith.extui %parallel_loop3A_140 : vector<16xi1> to vector<16xi32>
        %parallel_loop3A_142 = arith.constant true
        %parallel_loop3A_143 = vector.broadcast %parallel_loop3A_142 : i1 to vector<16xi1>
        %parallel_loop3A_144 = tpu.scan <sum>, %parallel_loop3A_141 masked %parallel_loop3A_143 : vector<16xi32>, vector<16xi1> -> vector<16xi32>
        %parallel_loop3A_145 = arith.addi %parallel_loop3A_132, %parallel_loop3A_144 : vector<16xi32>
        %parallel_loop3A_146 = arith.constant 1 : i32
        %parallel_loop3A_147 = vector.broadcast %parallel_loop3A_146 : i32 to vector<16xi32>
        %parallel_loop3A_148 = arith.subi %parallel_loop3A_145, %parallel_loop3A_147 : vector<16xi32>
        %parallel_loop3A_149 = arith.constant 0 : i32
        %parallel_loop3A_150 = vector.broadcast %parallel_loop3A_149 : i32 to vector<16xi32>
        %parallel_loop3A_151 = arith.maxsi %parallel_loop3A_148, %parallel_loop3A_150 : vector<16xi32>
        %parallel_loop3A_152 = arith.constant 16 : i32
        %parallel_loop3A_153 = arith.muli %parallel_loop3A_131, %parallel_loop3A_152 : i32
        %parallel_loop3A_154 = vector.broadcast %parallel_loop3A_153 : i32 to vector<16xi32>
        %parallel_loop3A_155 = arith.addi %iota3A, %parallel_loop3A_154 : vector<16xi32>
        tpu.vector_store_idx %arg7[%parallel_loop3A_151], %parallel_loop3A_155 masked %parallel_loop3A_140 : memref<32784xi32, #tpu.memory_space<vmem>>[vector<16xi32>], vector<16xi32>, vector<16xi1>
        %parallel_loop3A_156 = tpu.all_reduce %parallel_loop3A_140 {dim = 0 : i64, kind = #tpu.reduction_kind<sum>} : vector<16xi1> -> vector<16xi32>
        %parallel_loop3A_157 = arith.addi %parallel_loop3A_132, %parallel_loop3A_156 : vector<16xi32>
        scf.yield %parallel_loop3A_157 : vector<16xi32>
      } {sc.loop_unroll_factor = 4 : i64, sc.parallel_access}
      %reduce_max3A_54 = arith.constant true
      %reduce_max3A_55 = vector.broadcast %reduce_max3A_54 : i1 to vector<16xi1>
      %reduce_max3A_56 = arith.constant -2147483648 : i32
      %reduce_max3A_57 = vector.broadcast %reduce_max3A_56 : i32 to vector<16xi32>
      %reduce_max3A_58 = arith.xori %parallel_loop3A_53, %reduce_max3A_57 : vector<16xi32>
      %reduce_max3A_59 = tpu.scan <max>, %reduce_max3A_58 masked %reduce_max3A_55 : vector<16xi32>, vector<16xi1> -> vector<16xi32>
      %reduce_max3A_60 = arith.xori %reduce_max3A_59, %reduce_max3A_57 : vector<16xi32>
      %reduce_max3A_61 = vector.extract %reduce_max3A_60[15] : i32 from vector<16xi32>
      %add3A_62 = vector.broadcast %reduce_max3A_61 : i32 to vector<16xi32>
      %add3A_63 = arith.addi %add3A_62, %iota3A : vector<16xi32>
      %add3A_64 = arith.constant 32768 : i32
      %add3A_65 = vector.broadcast %add3A_64 : i32 to vector<16xi32>
      %add3A_66 = arith.addi %broadcast_in_dim3A_10, %add3A_65 : vector<16xi32>
      tpu.vector_store_idx %arg7[%add3A_63], %add3A_66 : memref<32784xi32, #tpu.memory_space<vmem>>[vector<16xi32>], vector<16xi32>,
      %add3A_67 = arith.constant 15 : i32
      %add3A_68 = arith.addi %reduce_max3A_61, %add3A_67 : i32
      %shift_right_logical3A = arith.constant 4 : i32
      %shift_right_logical3A_69 = arith.shrui %add3A_68, %shift_right_logical3A : i32
      %sub3A_70 = vector.broadcast %reduce_max3A_47 : i32 to vector<16xi32>
      %sub3A_71 = arith.subi %get3A_1, %sub3A_70 : vector<16xi32>
      %shift_left3A = arith.constant 24 : i32
      %shift_left3A_72 = arith.shli %sub3A_40, %shift_left3A : i32
      %add3A_73 = vector.broadcast %shift_left3A_72 : i32 to vector<16xi32>
      %add3A_74 = arith.addi %broadcast_in_dim3A_10, %add3A_73 : vector<16xi32>
      %scan3A_75 = arith.constant 0 : i32
      %scan3A_76 = arith.constant 24 : i32
      %scan3A_77 = arith.addi %scan3A_75, %scan3A_76 : i32
      %scan3A_78 = arith.constant 1 : i32
      %scan3A_79 = scf.for %scan3A_131 = %scan3A_75 to %scan3A_77 step %scan3A_78 iter_args(%scan3A_132 = %add3A_74) -> (vector<16xi32>)  : i32 {
        %sub3A_133 = arith.constant 23 : i32
        %sub3A_134 = arith.subi %sub3A_133, %scan3A_131 : i32
        %shift_left3A_135 = arith.constant 1 : i32
        %shift_left3A_136 = arith.shli %shift_left3A_135, %sub3A_134 : i32
        %add3A_137 = vector.broadcast %shift_left3A_136 : i32 to vector<16xi32>
        %add3A_138 = arith.addi %scan3A_132, %add3A_137 : vector<16xi32>
        %parallel_loop3A_139 = arith.constant 0 : i32
        %parallel_loop3A_140 = arith.constant 1 : i32
        %parallel_loop3A_141 = scf.for %parallel_loop3A_143 = %parallel_loop3A_139 to %shift_right_logical3A_69 step %parallel_loop3A_140 iter_args(%parallel_loop3A_144 = %broadcast_in_dim3A_10) -> (vector<16xi32>)  : i32 {
          %parallel_loop3A_145 = arith.constant 16 : i32
          %parallel_loop3A_146 = arith.muli %parallel_loop3A_143, %parallel_loop3A_145 : i32
          %parallel_loop3A_147 = arith.index_cast %parallel_loop3A_146 : i32 to index
          %parallel_loop3A_148 = tpu.vector_load %arg7[%parallel_loop3A_147] {strides = array<i32>} : memref<32784xi32, #tpu.memory_space<vmem>>, vector<16xi32>,
          %parallel_loop3A_149 = tpu.vector_load_idx %arg6[%parallel_loop3A_148] : memref<32784xi32, #tpu.memory_space<vmem>>[vector<16xi32>], vector<16xi32>,
          %parallel_loop3A_150 = arith.cmpi slt, %parallel_loop3A_149, %add3A_138 : vector<16xi32>
          %parallel_loop3A_151 = tpu.all_reduce %parallel_loop3A_150 {dim = 0 : i64, kind = #tpu.reduction_kind<sum>} : vector<16xi1> -> vector<16xi32>
          %parallel_loop3A_152 = arith.addi %parallel_loop3A_144, %parallel_loop3A_151 : vector<16xi32>
          scf.yield %parallel_loop3A_152 : vector<16xi32>
        } {sc.loop_unroll_factor = 2 : i64, sc.parallel_access}
        %ge3A = arith.cmpi sge, %parallel_loop3A_141, %sub3A_71 : vector<16xi32>
        %select_n3A_142 = arith.select %ge3A, %scan3A_132, %add3A_138 : vector<16xi1>, vector<16xi32>
        scf.yield %select_n3A_142 : vector<16xi32>
      }
      %scan3A_80 = arith.constant 24 : i32
      %parallel_loop3A_81 = arith.constant 0 : i32
      %parallel_loop3A_82 = arith.constant 1 : i32
      %parallel_loop3A_83 = scf.for %parallel_loop3A_131 = %parallel_loop3A_81 to %shift_right_logical3A_69 step %parallel_loop3A_82 iter_args(%parallel_loop3A_132 = %broadcast_in_dim3A_10) -> (vector<16xi32>)  : i32 {
        %parallel_loop3A_133 = arith.constant 16 : i32
        %parallel_loop3A_134 = arith.muli %parallel_loop3A_131, %parallel_loop3A_133 : i32
        %parallel_loop3A_135 = arith.index_cast %parallel_loop3A_134 : i32 to index
        %parallel_loop3A_136 = tpu.vector_load %arg7[%parallel_loop3A_135] {strides = array<i32>} : memref<32784xi32, #tpu.memory_space<vmem>>, vector<16xi32>,
        %parallel_loop3A_137 = tpu.vector_load_idx %arg6[%parallel_loop3A_136] : memref<32784xi32, #tpu.memory_space<vmem>>[vector<16xi32>], vector<16xi32>,
        %parallel_loop3A_138 = arith.cmpi slt, %parallel_loop3A_137, %scan3A_79 : vector<16xi32>
        %parallel_loop3A_139 = tpu.all_reduce %parallel_loop3A_138 {dim = 0 : i64, kind = #tpu.reduction_kind<sum>} : vector<16xi1> -> vector<16xi32>
        %parallel_loop3A_140 = arith.addi %parallel_loop3A_132, %parallel_loop3A_139 : vector<16xi32>
        scf.yield %parallel_loop3A_140 : vector<16xi32>
      } {sc.loop_unroll_factor = 2 : i64, sc.parallel_access}
      %sub3A_84 = arith.subi %sub3A_71, %parallel_loop3A_83 : vector<16xi32>
      %sub3A_85 = arith.constant 1 : i32
      %sub3A_86 = vector.broadcast %sub3A_85 : i32 to vector<16xi32>
      %sub3A_87 = arith.subi %broadcast_in_dim3A_10, %sub3A_86 : vector<16xi32>
      %while3A = arith.constant 0 : i32
      %while3A_88 = arith.subi %shift_right_logical3A_69, %while3A : i32
      %while3A_89 = arith.addi %while3A, %while3A_88 : i32
      %while3A_90 = arith.constant 1 : i32
      %while3A_91 = arith.divsi %while3A_88, %while3A_90 : i32
      %while3A_92 = arith.muli %while3A_91, %while3A_90 : i32
      %while3A_93 = arith.addi %while3A, %while3A_92 : i32
      %while3A_94 = arith.constant 1 : i32
      %while3A_95:2 = scf.for %while3A_131 = %while3A to %while3A_93 step %while3A_94 iter_args(%while3A_132 = %broadcast_in_dim3A_10, %while3A_133 = %sub3A_87) -> (vector<16xi32>, vector<16xi32>)  : i32 {
        %mul3A_134 = arith.constant 16 : i32
        %mul3A_135 = arith.muli %while3A_131, %mul3A_134 : i32
        %get3A_136 = arith.index_cast %mul3A_135 : i32 to index
        %get3A_137 = tpu.vector_load %arg7[%get3A_136] {strides = array<i32>} : memref<32784xi32, #tpu.memory_space<vmem>>, vector<16xi32>,
        %gather3A = tpu.vector_load_idx %arg6[%get3A_137] : memref<32784xi32, #tpu.memory_space<vmem>>[vector<16xi32>], vector<16xi32>,
        %eq3A = arith.cmpi eq, %gather3A, %scan3A_79 : vector<16xi32>
        %convert_element_type3A = arith.extui %eq3A : vector<16xi1> to vector<16xi32>
        %broadcast_in_dim3A_138 = arith.constant true
        %broadcast_in_dim3A_139 = vector.broadcast %broadcast_in_dim3A_138 : i1 to vector<16xi1>
        %masked_cumsum3A = tpu.scan <sum>, %convert_element_type3A masked %broadcast_in_dim3A_139 : vector<16xi32>, vector<16xi1> -> vector<16xi32>
        %add3A_140 = arith.addi %while3A_132, %masked_cumsum3A : vector<16xi32>
        %le3A = arith.cmpi sle, %add3A_140, %sub3A_84 : vector<16xi32>
        %and3A = arith.andi %eq3A, %le3A : vector<16xi1>
        %jit3A = arith.constant -1 : i32
        %broadcast_in_dim3A_141 = vector.broadcast %jit3A : i32 to vector<16xi32>
        %select_n3A_142 = arith.select %and3A, %get3A_137, %broadcast_in_dim3A_141 : vector<16xi1>, vector<16xi32>
        %max3A = arith.maxsi %while3A_133, %select_n3A_142 : vector<16xi32>
        %all_reduce_population_count3A = tpu.all_reduce %eq3A {dim = 0 : i64, kind = #tpu.reduction_kind<sum>} : vector<16xi1> -> vector<16xi32>
        %add3A_143 = arith.addi %while3A_132, %all_reduce_population_count3A : vector<16xi32>
        scf.yield %add3A_143, %max3A : vector<16xi32>, vector<16xi32>
      }
      %while3A_96 = arith.constant 1 : i32
      %while3A_97:2 = scf.for %while3A_131 = %while3A_93 to %while3A_89 step %while3A_96 iter_args(%while3A_132 = %while3A_95#0, %while3A_133 = %while3A_95#1) -> (vector<16xi32>, vector<16xi32>)  : i32 {
        %mul3A_134 = arith.constant 16 : i32
        %mul3A_135 = arith.muli %while3A_131, %mul3A_134 : i32
        %get3A_136 = arith.index_cast %mul3A_135 : i32 to index
        %get3A_137 = tpu.vector_load %arg7[%get3A_136] {strides = array<i32>} : memref<32784xi32, #tpu.memory_space<vmem>>, vector<16xi32>,
        %gather3A = tpu.vector_load_idx %arg6[%get3A_137] : memref<32784xi32, #tpu.memory_space<vmem>>[vector<16xi32>], vector<16xi32>,
        %eq3A = arith.cmpi eq, %gather3A, %scan3A_79 : vector<16xi32>
        %convert_element_type3A = arith.extui %eq3A : vector<16xi1> to vector<16xi32>
        %broadcast_in_dim3A_138 = arith.constant true
        %broadcast_in_dim3A_139 = vector.broadcast %broadcast_in_dim3A_138 : i1 to vector<16xi1>
        %masked_cumsum3A = tpu.scan <sum>, %convert_element_type3A masked %broadcast_in_dim3A_139 : vector<16xi32>, vector<16xi1> -> vector<16xi32>
        %add3A_140 = arith.addi %while3A_132, %masked_cumsum3A : vector<16xi32>
        %le3A = arith.cmpi sle, %add3A_140, %sub3A_84 : vector<16xi32>
        %and3A = arith.andi %eq3A, %le3A : vector<16xi1>
        %jit3A = arith.constant -1 : i32
        %broadcast_in_dim3A_141 = vector.broadcast %jit3A : i32 to vector<16xi32>
        %select_n3A_142 = arith.select %and3A, %get3A_137, %broadcast_in_dim3A_141 : vector<16xi1>, vector<16xi32>
        %max3A = arith.maxsi %while3A_133, %select_n3A_142 : vector<16xi32>
        %all_reduce_population_count3A = tpu.all_reduce %eq3A {dim = 0 : i64, kind = #tpu.reduction_kind<sum>} : vector<16xi1> -> vector<16xi32>
        %add3A_143 = arith.addi %while3A_132, %all_reduce_population_count3A : vector<16xi32>
        scf.yield %add3A_143, %max3A : vector<16xi32>, vector<16xi32>
      }
      %broadcast_in_dim3A_98 = arith.constant true
      %broadcast_in_dim3A_99 = vector.broadcast %broadcast_in_dim3A_98 : i1 to vector<16xi1>
      %masked_cummax3A = arith.constant -2147483648 : i32
      %masked_cummax3A_100 = vector.broadcast %masked_cummax3A : i32 to vector<16xi32>
      %masked_cummax3A_101 = arith.xori %while3A_97#1, %masked_cummax3A_100 : vector<16xi32>
      %masked_cummax3A_102 = tpu.scan <max>, %masked_cummax3A_101 masked %broadcast_in_dim3A_99 : vector<16xi32>, vector<16xi1> -> vector<16xi32>
      %masked_cummax3A_103 = arith.xori %masked_cummax3A_102, %masked_cummax3A_100 : vector<16xi32>
      %rev3A = arith.constant 15 : i32
      %rev3A_104 = vector.broadcast %rev3A : i32 to vector<16xi32>
      %rev3A_105 = tpu.iota {dimensions = array<i32: 0>} : vector<16xi32>
      %rev3A_106 = arith.subi %rev3A_104, %rev3A_105 : vector<16xi32>
      %rev3A_107 = tpu.dynamic_gather %masked_cummax3A_103[%rev3A_106] in [0] : vector<16xi32>, vector<16xi32> -> vector<16xi32>
      %broadcast_in_dim3A_108 = arith.constant true
      %broadcast_in_dim3A_109 = vector.broadcast %broadcast_in_dim3A_108 : i1 to vector<16xi1>
      %masked_cummax3A_110 = arith.constant -2147483648 : i32
      %masked_cummax3A_111 = vector.broadcast %masked_cummax3A_110 : i32 to vector<16xi32>
      %masked_cummax3A_112 = arith.xori %rev3A_107, %masked_cummax3A_111 : vector<16xi32>
      %masked_cummax3A_113 = tpu.scan <max>, %masked_cummax3A_112 masked %broadcast_in_dim3A_109 : vector<16xi32>, vector<16xi1> -> vector<16xi32>
      %masked_cummax3A_114 = arith.xori %masked_cummax3A_113, %masked_cummax3A_111 : vector<16xi32>
      %gt3A = arith.constant 0 : i32
      %gt3A_115 = vector.broadcast %gt3A : i32 to vector<16xi32>
      %gt3A_116 = arith.cmpi sgt, %get3A_1, %gt3A_115 : vector<16xi32>
      %add3A_117 = arith.constant -2147483648 : i32
      %add3A_118 = vector.broadcast %add3A_117 : i32 to vector<16xi32>
      %add3A_119 = arith.addi %broadcast_in_dim3A_10, %add3A_118 : vector<16xi32>
      %select_n3A = arith.select %gt3A_116, %scan3A_79, %add3A_119 : vector<16xi1>, vector<16xi32>
      %gt3A_120 = arith.constant 0 : i32
      %gt3A_121 = vector.broadcast %gt3A_120 : i32 to vector<16xi32>
      %gt3A_122 = arith.cmpi sgt, %get3A_1, %gt3A_121 : vector<16xi32>
      %sub3A_123 = arith.constant 1 : i32
      %sub3A_124 = vector.broadcast %sub3A_123 : i32 to vector<16xi32>
      %sub3A_125 = arith.subi %broadcast_in_dim3A_10, %sub3A_124 : vector<16xi32>
      %select_n3A_126 = arith.select %gt3A_122, %masked_cummax3A_114, %sub3A_125 : vector<16xi1>, vector<16xi32>
      %parallel_loop3A_127 = arith.constant 0 : i32
      %parallel_loop3A_128 = arith.constant 2048 : i32
      %parallel_loop3A_129 = arith.constant 1 : i32
      scf.for %parallel_loop3A_131 = %parallel_loop3A_127 to %parallel_loop3A_128 step %parallel_loop3A_129  : i32 {
        %parallel_loop3A_132 = arith.constant 16 : i32
        %parallel_loop3A_133 = arith.muli %parallel_loop3A_131, %parallel_loop3A_132 : i32
        %parallel_loop3A_134 = arith.index_cast %parallel_loop3A_133 : i32 to index
        %parallel_loop3A_135 = tpu.vector_load %arg6[%parallel_loop3A_134] {strides = array<i32>} : memref<32784xi32, #tpu.memory_space<vmem>>, vector<16xi32>,
        %parallel_loop3A_136 = arith.constant 16 : i32
        %parallel_loop3A_137 = arith.muli %parallel_loop3A_131, %parallel_loop3A_136 : i32
        %parallel_loop3A_138 = vector.broadcast %parallel_loop3A_137 : i32 to vector<16xi32>
        %parallel_loop3A_139 = arith.addi %iota3A, %parallel_loop3A_138 : vector<16xi32>
        %parallel_loop3A_140 = arith.cmpi slt, %parallel_loop3A_135, %select_n3A : vector<16xi32>
        %parallel_loop3A_141 = arith.cmpi eq, %parallel_loop3A_135, %select_n3A : vector<16xi32>
        %parallel_loop3A_142 = arith.cmpi sle, %parallel_loop3A_139, %select_n3A_126 : vector<16xi32>
        %parallel_loop3A_143 = arith.andi %parallel_loop3A_141, %parallel_loop3A_142 : vector<16xi1>
        %parallel_loop3A_144 = arith.ori %parallel_loop3A_140, %parallel_loop3A_143 : vector<16xi1>
        %parallel_loop3A_145 = arith.constant 16 : i32
        %parallel_loop3A_146 = arith.muli %parallel_loop3A_131, %parallel_loop3A_145 : i32
        %parallel_loop3A_147 = arith.index_cast %parallel_loop3A_146 : i32 to index
        %parallel_loop3A_148 = tpu.vector_load %arg5[%parallel_loop3A_147] {strides = array<i32>} : memref<32768xf32, #tpu.memory_space<vmem>>, vector<16xf32>,
        %parallel_loop3A_149 = arith.constant 0xFF800000 : f32
        %parallel_loop3A_150 = vector.broadcast %parallel_loop3A_149 : f32 to vector<16xf32>
        %parallel_loop3A_151 = arith.select %parallel_loop3A_144, %parallel_loop3A_148, %parallel_loop3A_150 : vector<16xi1>, vector<16xf32>
        %parallel_loop3A_152 = arith.constant 16 : i32
        %parallel_loop3A_153 = arith.muli %parallel_loop3A_131, %parallel_loop3A_152 : i32
        %parallel_loop3A_154 = arith.index_cast %parallel_loop3A_153 : i32 to index
        %parallel_loop3A_155 = tpu.vector_load %arg5[%parallel_loop3A_154] {strides = array<i32>} : memref<32768xf32, #tpu.memory_space<vmem>>, vector<16xf32>,
        tpu.vector_store %arg5[%parallel_loop3A_154], %parallel_loop3A_151 {strides = array<i32>} : memref<32768xf32, #tpu.memory_space<vmem>>, vector<16xf32>,
      } {sc.loop_unroll_factor = 4 : i64, sc.parallel_access}
      "tpu.region"() ({
        %run_scoped3A = tpu.sem_alloc : memref<!tpu.dma_semaphore, #tpu.memory_space<semaphore_mem>>
        %dma_start3A = arith.constant 0 : i32
        %dma_start3A_131 = tpu.memref_slice %arg4[%add3A_21, %dma_start3A] : memref<128x32768xf32, #tpu.memory_space<hbm>> -> memref<1x32768xf32, #tpu.memory_space<hbm>>
        %dma_start3A_132 = tpu.memref_squeeze %dma_start3A_131 : memref<1x32768xf32, #tpu.memory_space<hbm>> -> memref<32768xf32, #tpu.memory_space<hbm>>
        %dma_start3A_133 = arith.constant 0 : i32
        %dma_start3A_134 = tpu.memref_slice %arg4[%add3A_21, %dma_start3A_133] : memref<128x32768xf32, #tpu.memory_space<hbm>> -> memref<1x32768xf32, #tpu.memory_space<hbm>>
        %dma_start3A_135 = tpu.memref_squeeze %dma_start3A_134 : memref<1x32768xf32, #tpu.memory_space<hbm>> -> memref<32768xf32, #tpu.memory_space<hbm>>
        tpu.enqueue_dma source(%arg5 : memref<32768xf32, #tpu.memory_space<vmem>>) target(%dma_start3A_135 : memref<32768xf32, #tpu.memory_space<hbm>>) target_semaphore(%run_scoped3A : memref<!tpu.dma_semaphore, #tpu.memory_space<semaphore_mem>>)
        %dma_wait3A = arith.constant 0 : i32
        %dma_wait3A_136 = tpu.memref_slice %arg4[%add3A_21, %dma_wait3A] : memref<128x32768xf32, #tpu.memory_space<hbm>> -> memref<1x32768xf32, #tpu.memory_space<hbm>>
        %dma_wait3A_137 = tpu.memref_squeeze %dma_wait3A_136 : memref<1x32768xf32, #tpu.memory_space<hbm>> -> memref<32768xf32, #tpu.memory_space<hbm>>
        %dma_wait3A_138 = arith.constant 0 : i32
        %dma_wait3A_139 = tpu.memref_slice %arg4[%add3A_21, %dma_wait3A_138] : memref<128x32768xf32, #tpu.memory_space<hbm>> -> memref<1x32768xf32, #tpu.memory_space<hbm>>
        %dma_wait3A_140 = tpu.memref_squeeze %dma_wait3A_139 : memref<1x32768xf32, #tpu.memory_space<hbm>> -> memref<32768xf32, #tpu.memory_space<hbm>>
        tpu.wait_dma2 semaphore(%run_scoped3A : memref<!tpu.dma_semaphore, #tpu.memory_space<semaphore_mem>>) src(%arg5 : memref<32768xf32, #tpu.memory_space<vmem>>) dst(%dma_wait3A_140 : memref<32768xf32, #tpu.memory_space<hbm>>)
        tpu.yield
      }) : () -> ()
      %scan3A_130 = arith.constant 0 : i32
      scf.yield %scan3A_130 : i32
    }
    %scan3A_16 = arith.constant 4 : i32
    return
  }
}

</mosaic_0001>

<sc_bundles>
// kernel: kernel.3.cloned.1.call-start
scs
__scs_entry_jumppad:
0x0: {  	(pc) =	sbr.rel $0x88, $3  }
0x1: {  	(tag) =	ssettag $0x0;
	lr =	simm.s32 $0x1  }
0x2: {  	[smem:$0x3F9F] =	sst lr;
	_ =	strace $0xD0000000  }
0x3: {  	_ = 	snop  }
0x4: {  	_ = 	snop  }
0x5: {  	_ = 	snop  }
0x6: {  	_ = 	snop  }
0x7: {  	_ = 	snop  }
__scs_overlays_trampoline_lowered:
0x8: {  	[smem:$0x3FAE] =	sst s0  }
0x9: {  	[smem:$0x3FAF] =	sst s1  }
0xa: {  	[smem:$0x3FB0] =	sst s2  }
0xb: {  	[smem:$0x3FB1] =	sst s3  }
0xc: {  	[smem:$0x3FB2] =	sst s4  }
0xd: {  	[smem:$0x3FB3] =	sst s5  }
0xe: {  	[smem:$0x3FB4] =	sst s6  }
0xf: {  	[smem:$0x3FB5] =	sst s7  }
0x10: {  	[smem:$0x3FB6] =	sst s8  }
0x11: {  	[smem:$0x3FB7] =	sst s9;
	s0 =	simm.s32 @!p0 $0x0  }
0x12: {  	s1 =	sld [smem:$0x3F9D];
	s0 =	simm.s32 @p0 $0x1  }
0x13: {  	[smem:$0x3FB8] =	sst s0;
	s0 =	simm.s32 @!p1 $0x0  }
0x14: {  	s2 =	sld [smem:$0x3F9C];
	s0 =	simm.s32 @p1 $0x1  }
0x15: {  	[smem:$0x3FB9] =	sst s0;
	s0 =	simm.s32 @!p2 $0x0  }
0x16: {  	s3 =	sld [smem:$0x3FDB];
	s0 =	simm.s32 @p2 $0x1  }
0x17: {  	s4 =	simm.s32 $0x1BF5;
	[smem:$0x3FBB] =	sst s0  }
0x18: {  	s0 =	sld [smem:$0x3F9E];
	_ =	swait.ge [sflag:s4], $0x0  }
0x19: {  	s7 =	sld [smem:$0x3F9F]  }
0x1a: {  	s8 =	sadd.s32 $0xFFFFE003, lr  }
0x1b: {  	s9 =	sadd.s32 $0xFFFFFEF7, lr;
	s5 =	simm.s32 $0xFFFFFFFF;
	p2 =	slt.u32 s8, $0xFFFFF086  }
0x1c: {  	p1 =	slt.u32 s9, $0xF7A;
	s5 =	simm.s32 @!p2 $0x0  }
0x1d: {  	s5 =	simm.s32 @p1 $0x1;
	p0 =	seq.s32 s7, s2  }
0x1e: {  	s7 =	smul.u32 @!p0 $0xF7A, s2;
	p2 =	seq.s32 @!p0 s5, $0x0  }
0x1f: {  	s9 =	smul.u32 $0xF7A, s1;
	s8 =	simm.s32 @!p0 $0x1BF5;
	p2 =	por !p2, p0  }
0x20: {  	[sflag:s8] =	ssyncset.s32 @!p0 $0xFFFFF086;
	s6 =	sadd.s32 @!p0 s3, s7;
	s7 =	simm.s32 @!p0 $0x108  }
0x21: {  	s3 =	sadd.s32 s3, s9;
	s6 =	sadd.s32 @!p0 $0x88, s6;
	s7 =	simm.s32 @p2 $0x1082  }
0x22: {  	[simem:s7], [sflag:s8] =	dma.local @!p0 [hbm:s6], $0xF7A  }
0x23: {  	s9 =	sor.u32 $0xD0000000, s2;
	s6 =	simm.s32 $0x108;
	_ =	swait.ge @!p0 [sflag:s8], $0x0  }
0x24: {  	s3 =	sadd.s32 $0x88, s3;
	s6 =	simm.s32 @!p1 $0x1082;
	[sflag:s4] =	ssyncset.s32 $0xFFFFF086  }
0x25: {  	[simem:s6], [sflag:s4] =	dma.local [hbm:s3], $0xF7A  }
0x26: {  	[smem:$0x3F9F] =	sst s1;
	(tag) =	ssettag s2;
	_ =	strace s9  }
0x27: {  	s1 =	sld [smem:$0x3FAF]  }
0x28: {  	s2 =	sld [smem:$0x3FB0]  }
0x29: {  	s4 =	sld [smem:$0x3FB2]  }
0x2a: {  	p0 =	seq.s32 s5, $0x0;
	s5 =	sld [smem:$0x3FB3]  }
0x2b: {  	s6 =	sld [smem:$0x3FB4]  }
0x2c: {  	s7 =	sld [smem:$0x3FB5]  }
0x2d: {  	s3 =	simm.s32 $0x108;
	s8 =	sld [smem:$0x3FB6]  }
0x2e: {  	s3 =	simm.s32 @!p0 $0x1082;
	s9 =	sld [smem:$0x3FB7]  }
0x2f: {  	lr =	sadd.s32 s0, s3;
	s0 =	sld [smem:$0x3FAE]  }
0x30: {  	s3 =	sld [smem:$0x3FB1]  }
0x31: {  	[smem:$0x3FBA] =	sst s10  }
0x32: {  	s10 =	sld [smem:$0x3FB8];
	_ =	sdelay $0x3  }
0x33: {  	p0 =	seq.s32 s10, $0x1;
	s10 =	sld [smem:$0x3FBA];
	_ =	sdelay $0x3  }
0x34: {  	[smem:$0x3FBA] =	sst s10  }
0x35: {  	s10 =	sld [smem:$0x3FB9];
	_ =	sdelay $0x3  }
0x36: {  	p1 =	seq.s32 s10, $0x1;
	s10 =	sld [smem:$0x3FBA];
	_ =	sdelay $0x3  }
0x37: {  	[smem:$0x3FBA] =	sst s10  }
0x38: {  	s10 =	sld [smem:$0x3FBB]  }
0x39: {  	_ = 	snop;
	(pc) =	sbr.ind lr, $3  }
0x3a: {  	_ = 	snop  }
0x3b: {  	_ = 	snop  }
0x3c: {  	p2 =	seq.s32 s10, $0x1;
	s10 =	sld [smem:$0x3FBA]  }
0x3d: {  	_ =	shalt  }
0x3e: {  	_ =	shalt  }
0x3f: {  	_ =	shalt  }
0x40: {  	_ =	shalt  }
0x41: {  	_ =	shalt  }
0x42: {  	_ =	shalt  }
0x43: {  	_ =	shalt  }
0x44: {  	_ =	shalt  }
0x45: {  	_ =	shalt  }
0x46: {  	_ =	shalt  }
0x47: {  	_ =	shalt  }
0x48: {  	_ =	shalt  }
0x49: {  	_ =	shalt  }
0x4a: {  	_ =	shalt  }
0x4b: {  	_ =	shalt  }
0x4c: {  	_ =	shalt  }
0x4d: {  	_ =	shalt  }
0x4e: {  	_ =	shalt  }
0x4f: {  	_ =	shalt  }
0x50: {  	_ =	shalt  }
0x51: {  	_ =	shalt  }
0x52: {  	_ =	shalt  }
0x53: {  	_ =	shalt  }
0x54: {  	_ =	shalt  }
0x55: {  	_ =	shalt  }
0x56: {  	_ =	shalt  }
0x57: {  	_ =	shalt  }
0x58: {  	_ =	shalt  }
0x59: {  	_ =	shalt  }
0x5a: {  	_ =	shalt  }
0x5b: {  	_ =	shalt  }
0x5c: {  	_ =	shalt  }
0x5d: {  	_ =	shalt  }
0x5e: {  	_ =	shalt  }
0x5f: {  	_ =	shalt  }
0x60: {  	_ =	shalt  }
0x61: {  	_ =	shalt  }
0x62: {  	_ =	shalt  }
0x63: {  	_ =	shalt  }
0x64: {  	_ =	shalt  }
0x65: {  	_ =	shalt  }
0x66: {  	_ =	shalt  }
0x67: {  	_ =	shalt  }
0x68: {  	_ =	shalt  }
0x69: {  	_ =	shalt  }
0x6a: {  	_ =	shalt  }
0x6b: {  	_ =	shalt  }
0x6c: {  	_ =	shalt  }
0x6d: {  	_ =	shalt  }
0x6e: {  	_ =	shalt  }
0x6f: {  	_ =	shalt  }
0x70: {  	_ =	shalt  }
0x71: {  	_ =	shalt  }
0x72: {  	_ =	shalt  }
0x73: {  	_ =	shalt  }
0x74: {  	_ =	shalt  }
0x75: {  	_ =	shalt  }
0x76: {  	_ =	shalt  }
0x77: {  	_ =	shalt  }
0x78: {  	_ =	shalt  }
0x79: {  	_ =	shalt  }
0x7a: {  	_ =	shalt  }
0x7b: {  	_ =	shalt  }
0x7c: {  	_ =	shalt  }
0x7d: {  	_ =	shalt  }
0x7e: {  	_ =	shalt  }
0x7f: {  	_ =	shalt  }
0x80: {  	_ =	shalt  }
0x81: {  	_ =	shalt  }
0x82: {  	_ =	shalt  }
0x83: {  	_ =	shalt  }
0x84: {  	_ =	shalt  }
0x85: {  	_ =	shalt  }
0x86: {  	_ =	shalt  }
0x87: {  	_ =	shalt  }
.Lfunc_end0:
.L_simem_size_0:
called_computation_lowered:
.L_overlay_start_0:
0x88: {  	s2 =	sld [smem:$0x3FD9]  }
0x89: {  	s3 =	sld [smem:$0x3FFE];
	_ =	sdelay $0x1  }
0x8a: {  	s1 =	srdreg.scid  }
0x8b: {  	s0 =	sand.u32 $0x1, s1  }
0x8c: {  	s17 =	sshll.u32 s0, $0xA;
	s2 =	sadd.s32 s3, s2  }
0x8d: {  	s2 =	sadd.s32 s2, s17  }
0x8e: {  	[smem:$0x3FC6] =	sst s2  }
0x8f: {  	_ = 	snop  }
0x90: {  	s2 =	sld [smem:$0x3FC9]  }
0x91: {  	s18 =	sld [smem:$0x3FD0];
	(tm) =	ssettm $0x1  }
0x92: {  	s4 =	sld [smem:$0x3FFB];
	_ =	sdelay $0x3  }
0x93: {  	_ =	strace s4  }
0x94: {  	s4 =	sld [smem:$0x3FFC];
	_ =	sdelay $0x3  }
0x95: {  	_ =	strace s4  }
0x96: {  	s4 =	sld [smem:$0x3FFD];
	_ =	sdelay $0x3  }
0x97: {  	_ =	strace s4  }
0x98: {  	_ =	strace $0x8FFFFFFF  }
0x99: {  	s19 =	sld [smem:$0x3FDB];
	_ =	sdelay $0x1  }
0x9a: {  	s5 =	simm.s32 $_scs_section_size  }
0x9b: {  	s6 =	simm.s32 $_size__tile_overlayer_lowered;
	s7 =	simm.s32 $_tile_overlayer_lowered  }
0x9c: {  	s22 =	simm.s32 $0x1BFF;
	s21 =	sshll.u32 s7, $0x1;
	s4 =	sadd.s32 s5, s19  }
0x9d: {  	s8 =	simm.s32 $0x0;
	s20 =	sshll.u32 s6, $0x1;
	s6 =	sadd.s32 s21, s4  }
0x9e: {  	[timem:s8], [sflag:s22] =	dma.local [hbm:s6], s20  }
0x9f: {  	_ =	swait.ge [sflag:s22], s20  }
0xa0: {  	s5 =	ssub.s32 $0x0, s20;
	[sflag:s22] =	ssyncset.done $0x0  }
0xa1: {  	[sflag:s22] =	ssyncadd.s32 s5;
	_ =	sdelay $0x1  }
0xa2: {  	s23 =	simm.s32 $0x1B8B  }
0xa3: {  	_ =	swait.ge [sflag:s23], $0x1  }
0xa4: {  	[sflag:s23] =	ssyncset.done $0x0  }
0xa5: {  	s25 =	simm.s32 $0x1B8E;
	s24 =	sld [smem:$0x3FFE];
	[sflag:s23] =	ssyncadd.s32 $0xFFFFFFFF  }
0xa6: {  	s26 =	simm.s32 $execute0_lowered;
	[smem:$0x3FD2] =	sst s25  }
0xa7: {  	s6 =	sshll.u32 s26, $0x1;
	_ =	strace $0x80000046;
	[dreg:$0x1] =	wrdreg $0xFFFFFFFF  }
0xa8: {  	s28 =	simm.s32 $_size_execute0_lowered;
	s4 =	sadd.s32 s4, s6;
	[dreg:$0x0] =	wrdreg $0x0  }
0xa9: {  	s6 =	sshll.u32 s28, $0x1;
	[dreg:$0x2] =	wrdreg s4  }
0xaa: {  	[dreg:$0x3] =	wrdreg s6  }
0xab: {  	[dreg:$0x4] =	wrdreg $0xC0  }
0xac: {  	_ =	task [dreg:s8], $0x5FFFF  }
0xad: {  	[dreg:$0x1] =	wrdreg $0xFFFFFFFF  }
0xae: {  	[dreg:$0x0] =	wrdreg $0x60  }
0xaf: {  	[dreg:$0x2] =	wrdreg s2  }
0xb0: {  	[dreg:$0x3] =	wrdreg s24  }
0xb1: {  	[dreg:$0x4] =	wrdreg s18  }
0xb2: {  	[dreg:$0x5] =	wrdreg $0x9  }
0xb3: {  	_ =	task.clear_ibuf [dreg:s8], $0x6FFFF;
	_ =	strace $0x90000046  }
0xb4: {  	s29 =	simm.s32 $0x9;
	_ =	strace $0x80000048  }
0xb5: {  	_ =	swait.ge [sflag:s29], $0x1  }
0xb6: {  	[sflag:s29] =	ssyncadd.s32 $0xFFFFFFFF  }
0xb7: {  	_ =	strace $0x90000048  }
0xb8: {  	_ =	sfence  }
0xb9: {  	s30 =	sld [smem:$0x0];
	_ =	sdelay $0x2  }
0xba: {  	s31 =	sshll.u32 s1, $0xD;
	s1 =	sshrl.u32 s1, $0x2  }
0xbb: {  	s3 =	sand.u32 $0x4000, s31;
	s1 =	sadd.s32 s1, s30  }
0xbc: {  	s0 =	sor.u32 s3, s0;
	s1 =	sshll.u32 s1, $0x11  }
0xbd: {  	s0 =	sor.u32 s1, s0  }
0xbe: {  	s0 =	sadd.s32 $0x8F2B, s0  }
0xbf: {  	[sflag:s0] =	ssyncadd.remote.s32 $0x1  }
0xc0: {  	_ =	sfence.sel $0xFFFF  }
0xc1: {  	[dreg:$0x0] =	wrdreg $0xFFFFFFFF;
	(pc) =	sbr.abs _section_cstart, $3  }
0xc2: {  	[dreg:$0x1] =	wrdreg $0xFFFFFFFF  }
0xc3: {  	_ =	task.clear_ibuf [dreg:s8], $0x2FFFF;
	_ =	strace $0x9FFFFFFF  }
0xc4: {  	(tm) =	ssettm $0x7FFFFFFF  }
0xc5: {  	_ =	shalt  }
tec
execute0_lowered:
.L_overlay_start_1:
0x0: {  	(tag) =	ssettag $0x1  }
0x1: {  	s1 =	rddreg [dreg:$0x0]  }
0x2: {  	s5 =	rddreg [dreg:$0x1]  }
0x3: {  	s2 =	rddreg [dreg:$0x2];
	s4 =	srdreg.scid  }
0x4: {  	s0 =	rddreg [dreg:$0x3];
	s3 =	simm.s32 $0x0;
	s9 =	simm.s32 $0x1  }
0x5: {  	s10 =	simm.s32 $0x400;
	s11 =	simm.s32 $0x80;
	s12 =	simm.s32 $0x18100  }
0x6: {  	s13 =	simm.s32 $0x10080;
	s14 =	simm.s32 $0x800000;
	s15 =	simm.s32 $0x8000  }
.Ltmp0:
0x7: {  	s16 =	simm.s32 $0x0;
	s6 =	sand.u32 $0x1, s4;
	(pc) =	sbr.rel .LBB2_1-.Ltmp0, $4  }
0x8: {  	v0 =	vlaneseq.u32;
	[smem:$0x7FF] =	sst s3;
	s4 =	stileid.u32;
	s7 =	ssub.s32 $0x2, s6  }
0x9: {  	s5 =	sadd.s32 $0x400, s5;
	v3 =	vmul.u32 $0x100, v0;
	v5 =	vmul.u32 $0xFFFFFFFF, v0;
	_ =	strace $0x80000047;
	s8 =	sshrl.u32 s7, $0x1  }
0xa: {  	v1 =	vimm.s32 $0x0;
	v2 =	vimm.s32 $0x7FFFFFFF;
	v4 =	vimm.s32 $0x1;
	s31 =	sshll.u32 s4, $0xF;
	s6 =	sshll.u32 s6, $0x6;
	s7 =	ssub.s32 s7, s8  }
0xb: {  	v6 =	vimm.s32 $0x8000;
	s6 =	sor.u32 s31, s6;
	v3 =	vor.u32 $0x80, v3;
	v5 =	vadd.s32 $0xF, v5;
	s8 =	simm.s32 $0x19100;
	s7 =	smax.u32 s7, $0x1  }
.LBB2_46:
0xc: {  	s16 =	sadd.s32 $0x1, s16  }
0xd: {  	p0 =	sne.s32 s16, s7  }
.Ltmp1:
0xe: {  	_ = 	snop;
	(pc) =	sbr.rel @!p0 .LBB2_47-.Ltmp1, $1  }
0xf: {  	_ =	sdelay $0x3  }
.LBB2_1:
0x10: {  	[tilespmem:s8], [sflag:$0x1] =	stream.linear.gather [hbm4b:s5+s3], $0x80, $0x38;
	[tilespmem:$0x19180] =	vst v63  }
0x11: {  	_ =	swait.ge [sflag:s9], $0x80  }
0x12: {  	[sflag:s9] =	ssyncset.done $0x0  }
0x13: {  	[sflag:s9] =	ssyncadd.s32 $0xFFFFFF80  }
0x14: {  	v7 =	vld [tilespmem:$0x19100];
	_ =	sdelay $0x4  }
0x15: {  	s17 =	simm.s32 $0x0;
	vm0 =	vgt.s32 v7, $0x0  }
.LBB2_2:
0x16: {  	s18 =	sshll.u32 s17, $0x4  }
0x17: {  	s18 =	sadd.s32 s6, s18  }
0x18: {  	s19 =	sadd.s32 s1, s18  }
0x19: {  	[tilespmem:s3], [sflag:$0x1] =	stream.strided.gather [hbm4b:s19+s11], $0x8000, s10, s11, $0x38;
	[tilespmem:$0x19180] =	vst v63  }
0x1a: {  	_ =	swait.ge [sflag:s9], $0x8000  }
0x1b: {  	[sflag:s9] =	ssyncset.done $0x0  }
0x1c: {  	s19 =	simm.s32 $0x18140;
	[sflag:s9] =	ssyncadd.s32 $0xFFFF8000  }
0x1d: {  	[tilespmem:s19+$0xFFFFFFC0] =	vst v1  }
0x1e: {  	[tilespmem:s19+$0x30] =	vst v1  }
0x1f: {  	[tilespmem:s19+$0x20] =	vst v1  }
0x20: {  	[tilespmem:s19+$0x10] =	vst v1  }
0x21: {  	[tilespmem:s19+$0x0] =	vst v1  }
0x22: {  	[tilespmem:s19+$0xFFFFFFF0] =	vst v1  }
0x23: {  	s20 =	simm.s32 $0x0;
	[tilespmem:s19+$0xFFFFFFE0] =	vst v1  }
.LBB2_3:
0x24: {  	s20 =	sadd.s32 $0x8, s20;
	[tilespmem:s19+$0xFFFFFFD0] =	vst v1;
	s19 =	sadd.s32 $0x80, s19  }
0x25: {  	[tilespmem:s19+$0xFFFFFFC0] =	vst v1;
	p0 =	slt.u32 s20, $0xF8  }
0x26: {  	[tilespmem:s19+$0x30] =	vst v1  }
.Ltmp2:
0x27: {  	[tilespmem:s19+$0x20] =	vst v1;
	(pc) =	sbr.rel @p0 .LBB2_3-.Ltmp2, $4  }
0x28: {  	[tilespmem:s19+$0x10] =	vst v1  }
0x29: {  	[tilespmem:s19+$0x0] =	vst v1  }
0x2a: {  	[tilespmem:s19+$0xFFFFFFF0] =	vst v1  }
0x2b: {  	[tilespmem:s19+$0xFFFFFFE0] =	vst v1  }
0x2c: {  	[tilespmem:s19+$0xFFFFFFD0] =	vst v1  }
0x2d: {  	s31 =	simm.s32 $0x20;
	[tilespmem:$0x10000] =	vst v2  }
0x2e: {  	v8 =	vld [tilespmem:s31+$0x0]  }
0x2f: {  	v9 =	vld [tilespmem:s31+$0xFFFFFFF0]  }
0x30: {  	v13 =	vld [tilespmem:s31+$0xFFFFFFE0]  }
0x31: {  	v12 =	vld [tilespmem:s31+$0x10];
	_ =	sdelay $0x2  }
0x32: {  	vm1 =	vlt.s32 v8, $0x0;
	v10 =	vxor.u32 $0x7FFFFFFF, v8;
	v14 =	vxor.u32 $0x7FFFFFFF, v9  }
0x33: {  	vm2 =	vlt.s32 v13, $0x0;
	v8 =	vsel vm1, v10, v8;
	vm1 =	vlt.s32 v9, $0x0  }
0x34: {  	s20 =	simm.s32 $0x60;
	s19 =	simm.s32 $0x8020;
	v10 =	vshra.s32 v8, $0x18;
	v9 =	vsel vm1, v14, v9;
	vm1 =	vlt.s32 v12, $0x0  }
0x35: {  	v11 =	vld [tilespmem:s20+$0x0];
	v14 =	vxor.u32 $0x7FFFFFFF, v13;
	v16 =	vadd.s32 v3, v10;
	[tilespmem:s19+$0xFFFFFFF0] =	vst v9;
	v9 =	vshra.s32 v9, $0x18  }
0x36: {  	[tilespmem:s19+$0x0] =	vst v8;
	v8 =	vxor.u32 $0x7FFFFFFF, v12;
	v10 =	vld [tilespmem:s20+$0xFFFFFFF0];
	v13 =	vsel vm2, v14, v13;
	v14 =	vadd.s32 v3, v9  }
0x37: {  	v12 =	vsel vm1, v8, v12  }
0x38: {  	v8 =	vld [tilespmem:s20+$0x10];
	[tilespmem:s19+$0x10] =	vst v12;
	v12 =	vshra.s32 v12, $0x18  }
0x39: {  	v9 =	vld [tilespmem:s20+$0xFFFFFFE0];
	[tilespmem:s19+$0xFFFFFFE0] =	vst v13;
	v13 =	vshra.s32 v13, $0x18;
	v12 =	vadd.s32 v3, v12  }
0x3a: {  	s21 =	simm.s32 $0xA0;
	v15 =	vxor.u32 $0x7FFFFFFF, v11;
	vm1 =	vlt.s32 v11, $0x0;
	s20 =	simm.s32 $0x4;
	v13 =	vadd.s32 v3, v13;
	[tilespmem:v16+s12+$0x0] =	vst.idx.add.s32.msk $0xffff, v4  }
.LBB2_5:
0x3b: {  	s20 =	sadd.s32 $0x4, s20;
	vm2 =	vlt.s32 v10, $0x0;
	v16 =	vxor.u32 $0x7FFFFFFF, v10;
	v11 =	vsel vm1, v15, v11;
	[tilespmem:v14+s12+$0x0] =	vst.idx.add.s32.msk $0xffff, v4;
	s19 =	sadd.s32 $0x40, s19  }
0x3c: {  	p0 =	slt.u32 s20, $0x7FC;
	v14 =	vsel vm2, v16, v10;
	v10 =	vld [tilespmem:s21+$0xFFFFFFF0];
	[tilespmem:s19+$0x0] =	vst v11;
	v15 =	vshra.s32 v11, $0x18  }
0x3d: {  	v11 =	vld [tilespmem:s21+$0x0];
	[tilespmem:s19+$0xFFFFFFF0] =	vst v14;
	v14 =	vshra.s32 v14, $0x18;
	v16 =	vadd.s32 v3, v15;
	vm1 =	vlt.s32 v8, $0x0  }
.Ltmp3:
0x3e: {  	v15 =	vxor.u32 $0x7FFFFFFF, v8;
	vm2 =	vlt.s32 v9, $0x0;
	v14 =	vadd.s32 v3, v14;
	[tilespmem:v12+s12+$0x0] =	vst.idx.add.s32.msk $0xffff, v4;
	(pc) =	sbr.rel @p0 .LBB2_5-.Ltmp3, $4  }
0x3f: {  	v12 =	vxor.u32 $0x7FFFFFFF, v9;
	v15 =	vsel vm1, v15, v8;
	[tilespmem:v13+s12+$0x0] =	vst.idx.add.s32.msk $0xffff, v4  }
0x40: {  	v12 =	vsel vm2, v12, v9;
	v13 =	vshra.s32 v15, $0x18;
	v8 =	vld [tilespmem:s21+$0x10];
	[tilespmem:s19+$0x10] =	vst v15  }
0x41: {  	v17 =	vshra.s32 v12, $0x18;
	v9 =	vld [tilespmem:s21+$0xFFFFFFE0];
	[tilespmem:s19+$0xFFFFFFE0] =	vst v12;
	v12 =	vadd.s32 v3, v13  }
0x42: {  	s21 =	sadd.s32 $0x40, s21;
	v13 =	vadd.s32 v3, v17;
	vm1 =	vlt.s32 v11, $0x0;
	v15 =	vxor.u32 $0x7FFFFFFF, v11;
	[tilespmem:v16+s12+$0x0] =	vst.idx.add.s32.msk $0xffff, v4  }
0x43: {  	_ =	sdelay $0x1  }
0x44: {  	vm2 =	vlt.s32 v10, $0x0;
	v16 =	vxor.u32 $0x7FFFFFFF, v10  }
0x45: {  	v11 =	vsel vm1, v15, v11;
	v10 =	vsel vm2, v16, v10  }
0x46: {  	[tilespmem:v14+s12+$0x0] =	vst.idx.add.s32.msk $0xffff, v4;
	s19 =	sadd.s32 $0x40, s19;
	v14 =	vshra.s32 v11, $0x18;
	v15 =	vshra.s32 v10, $0x18  }
0x47: {  	[tilespmem:s19+$0x0] =	vst v11;
	v11 =	vadd.s32 v3, v14;
	vm1 =	vlt.s32 v8, $0x0;
	v14 =	vxor.u32 $0x7FFFFFFF, v8  }
0x48: {  	[tilespmem:s19+$0xFFFFFFF0] =	vst v10;
	vm2 =	vlt.s32 v9, $0x0;
	v10 =	vxor.u32 $0x7FFFFFFF, v9;
	v8 =	vsel vm1, v14, v8  }
0x49: {  	[tilespmem:v12+s12+$0x0] =	vst.idx.add.s32.msk $0xffff, v4;
	v14 =	vadd.s32 v3, v15;
	v9 =	vsel vm2, v10, v9;
	v10 =	vshra.s32 v8, $0x18  }
0x4a: {  	[tilespmem:v13+s12+$0x0] =	vst.idx.add.s32.msk $0xffff, v4;
	v12 =	vshra.s32 v9, $0x18;
	v10 =	vadd.s32 v3, v10  }
0x4b: {  	[tilespmem:s19+$0x10] =	vst v8;
	v8 =	vadd.s32 v3, v12  }
0x4c: {  	[tilespmem:s19+$0xFFFFFFE0] =	vst v9  }
0x4d: {  	[tilespmem:v11+s12+$0x0] =	vst.idx.add.s32.msk $0xffff, v4  }
0x4e: {  	[tilespmem:v14+s12+$0x0] =	vst.idx.add.s32.msk $0xffff, v4  }
0x4f: {  	s30 =	simm.s32 $0x0;
	[tilespmem:v10+s12+$0x0] =	vst.idx.add.s32.msk $0xffff, v4  }
0x50: {  	s19 =	sand.u32 $0xF0, s30;
	[tilespmem:v8+s12+$0x0] =	vst.idx.add.s32.msk $0xffff, v4  }
0x51: {  	v8 =	vld [tilespmem:s19+$0x18100]  }
0x52: {  	v9 =	vld [tilespmem:s19+$0x18200]  }
0x53: {  	v10 =	vld [tilespmem:s19+$0x18300]  }
0x54: {  	v11 =	vld [tilespmem:s19+$0x18400]  }
0x55: {  	v12 =	vld [tilespmem:s19+$0x18500]  }
0x56: {  	v13 =	vld [tilespmem:s19+$0x18600]  }
0x57: {  	v14 =	vld [tilespmem:s19+$0x18700]  }
0x58: {  	v15 =	vld [tilespmem:s19+$0x18800]  }
0x59: {  	v16 =	vld [tilespmem:s19+$0x18900]  }
0x5a: {  	v17 =	vld [tilespmem:s19+$0x18A00]  }
0x5b: {  	v18 =	vld [tilespmem:s19+$0x19000]  }
0x5c: {  	v19 =	vld [tilespmem:s19+$0x18F00]  }
0x5d: {  	s20 =	simm.s32 $0x10;
	v20 =	vld [tilespmem:s19+$0x18E00]  }
0x5e: {  	s20 =	sand.u32 $0xF0, s20;
	v21 =	vld [tilespmem:s19+$0x18D00]  }
0x5f: {  	v22 =	vld [tilespmem:s20+$0x18800];
	v8 =	vadd.s32 v8, v9  }
0x60: {  	v61 =	vld [tilespmem:s20+$0x19000];
	v8 =	vadd.s32 v8, v10  }
0x61: {  	v62 =	vld [tilespmem:s20+$0x18F00];
	v8 =	vadd.s32 v8, v11  }
0x62: {  	v9 =	vld [tilespmem:s19+$0x18C00];
	v8 =	vadd.s32 v8, v12  }
0x63: {  	s31 =	simm.s32 $0x20;
	v10 =	vld [tilespmem:s19+$0x18B00];
	v8 =	vadd.s32 v8, v13  }
0x64: {  	s19 =	sand.u32 $0xF0, s31;
	v11 =	vld [tilespmem:s20+$0x18100];
	v8 =	vadd.s32 v8, v14  }
0x65: {  	v63 =	vld [tilespmem:s19+$0x18600];
	v8 =	vadd.s32 v8, v15  }
0x66: {  	v12 =	vld [tilespmem:s20+$0x18200];
	v8 =	vadd.s32 v8, v16  }
0x67: {  	v13 =	vld [tilespmem:s20+$0x18300];
	v8 =	vadd.s32 v8, v17  }
0x68: {  	v14 =	vld [tilespmem:s20+$0x18400];
	v8 =	vadd.s32 v8, v10  }
0x69: {  	v15 =	vld [tilespmem:s20+$0x18500];
	v8 =	vadd.s32 v8, v9  }
0x6a: {  	v16 =	vld [tilespmem:s20+$0x18600];
	v8 =	vadd.s32 v8, v21  }
0x6b: {  	v17 =	vld [tilespmem:s20+$0x18700];
	v8 =	vadd.s32 v8, v20  }
0x6c: {  	v11 =	vadd.s32 v11, v12;
	v12 =	vld [tilespmem:s20+$0x18B00];
	v8 =	vadd.s32 v8, v19  }
0x6d: {  	v10 =	vld [tilespmem:s20+$0x18900];
	v8 =	vadd.s32 v8, v18  }
0x6e: {  	v11 =	vadd.s32 v11, v13;
	v13 =	vld [tilespmem:s19+$0x18100];
	(xrf0) =	vadd.scan.msk.s32 $0xffff, v8  }
0x6f: {  	v9 =	vld [tilespmem:s20+$0x18A00]  }
0x70: {  	v11 =	vadd.s32 v11, v14;
	v14 =	vld [tilespmem:s19+$0x18200]  }
0x71: {  	v11 =	vadd.s32 v11, v15;
	v15 =	vld [tilespmem:s19+$0x18300]  }
0x72: {  	v11 =	vadd.s32 v11, v16;
	v16 =	vld [tilespmem:s19+$0x18400]  }
0x73: {  	v11 =	vadd.s32 v11, v17;
	v17 =	vld [tilespmem:s19+$0x18500]  }
0x74: {  	v23 =	vimm.s32 $0x0;
	v8 =	vld [tilespmem:s20+$0x18C00];
	v24, _, _ =	vpop (xrf0)  }
0x75: {  	v18 =	vld [tilespmem:s20+$0x18D00];
	v11 =	vadd.s32 v11, v22;
	v24 =	vadd.s32 v23, v24  }
0x76: {  	v19 =	vld [tilespmem:s20+$0x18E00];
	v10 =	vadd.s32 v11, v10;
	v25 =	vperm.xlane v24, v5  }
0x77: {  	v11 =	vadd.s32 v13, v14;
	v14 =	vld [tilespmem:s19+$0x18700];
	v9 =	vadd.s32 v10, v9  }
0x78: {  	v10 =	vadd.s32 v11, v15;
	v11 =	vld [tilespmem:s19+$0x18800];
	v9 =	vadd.s32 v9, v12;
	v13 =	vxor.u32 $0x80000000, v25  }
0x79: {  	v10 =	vadd.s32 v10, v16;
	v12 =	vld [tilespmem:s19+$0x18900];
	v8 =	vadd.s32 v9, v8;
	(xrf0) =	vmax.scan.msk.u32 $0xffff, v13  }
0x7a: {  	v15 =	vld [tilespmem:s19+$0x18A00];
	v9 =	vadd.s32 v10, v17;
	v8 =	vadd.s32 v8, v18  }
0x7b: {  	v9 =	vadd.s32 v9, v63;
	v8 =	vadd.s32 v8, v19;
	vm1 =	vlt.s32 v24, v7;
	v13 =	vld [tilespmem:s19+$0x19000]  }
0x7c: {  	v10 =	vld [tilespmem:s19+$0x18F00];
	v9 =	vadd.s32 v9, v14;
	v8 =	vadd.s32 v8, v62;
	v16 =	vsel vm1, $0x1, v1  }
0x7d: {  	v9 =	vadd.s32 v9, v11;
	v11 =	vld [tilespmem:s19+$0x18E00];
	v14 =	vnsel vm1, $0x0, v24;
	v17 =	vadd.s32 v8, v61  }
0x7e: {  	v18 =	vadd.s32 v9, v12;
	v12 =	vld [tilespmem:s19+$0x18D00];
	vm1 =	vgt.s32 v23, v14;
	(xrf0) =	vadd.scan.msk.s32 $0xffff, v17  }
0x7f: {  	s20 =	simm.s32 $0x30;
	v8 =	vadd.s32 v16, v23;
	v15 =	vadd.s32 v18, v15;
	v9 =	vsel vm1, v23, v14;
	v14 =	vld [tilespmem:s19+$0x18C00];
	v16, _, _ =	vpop (xrf0)  }
.LBB2_7:
0x80: {  	p0 =	sne.s32 s20, $0xF0;
	v17 =	vld [tilespmem:s19+$0x18B00];
	s19 =	sand.u32 $0xF0, s20;
	s20 =	sadd.s32 $0x10, s20;
	v16 =	vxor.u32 $0x80000000, v16;
	v18 =	vmov v13  }
0x81: {  	v13 =	vld [tilespmem:s19+$0x18100]  }
0x82: {  	v19 =	vld [tilespmem:s19+$0x18200]  }
0x83: {  	v20 =	vld [tilespmem:s19+$0x18300]  }
0x84: {  	v21 =	vld [tilespmem:s19+$0x18400];
	v22, _, _ =	vpop (xrf0)  }
0x85: {  	v23 =	vld [tilespmem:s19+$0x18500];
	v16 =	vadd.s32 v16, v22  }
0x86: {  	v22 =	vld [tilespmem:s19+$0x18600];
	vm1 =	vlt.s32 v16, v7;
	v24 =	vperm.xlane v16, v5  }
0x87: {  	v13 =	vadd.s32 v13, v19;
	v19 =	vld [tilespmem:s19+$0x18700];
	v25 =	vsel vm1, $0x1, v1;
	v16 =	vnsel vm1, $0x0, v16  }
0x88: {  	v15 =	vadd.s32 v15, v17;
	v13 =	vadd.s32 v13, v20;
	v20 =	vld [tilespmem:s19+$0x18800];
	v17 =	vxor.u32 $0x80000000, v24  }
0x89: {  	v14 =	vadd.s32 v15, v14;
	vm1 =	vgt.s32 v9, v16;
	v13 =	vadd.s32 v13, v21;
	v21 =	vld [tilespmem:s19+$0x18900];
	(xrf0) =	vmax.scan.msk.u32 $0xffff, v17  }
0x8a: {  	v12 =	vadd.s32 v14, v12;
	v9 =	vsel vm1, v9, v16;
	v13 =	vadd.s32 v13, v23;
	v15 =	vld [tilespmem:s19+$0x18A00]  }
.Ltmp4:
0x8b: {  	v11 =	vadd.s32 v12, v11;
	v8 =	vadd.s32 v25, v8;
	v14 =	vadd.s32 v13, v22;
	v13 =	vld [tilespmem:s19+$0x19000];
	(pc) =	sbr.rel @p0 .LBB2_7-.Ltmp4, $4  }
0x8c: {  	v12 =	vadd.s32 v14, v19;
	v14 =	vadd.s32 v11, v10;
	v10 =	vld [tilespmem:s19+$0x18F00]  }
0x8d: {  	v12 =	vadd.s32 v12, v20;
	v11 =	vld [tilespmem:s19+$0x18E00];
	v14 =	vadd.s32 v14, v18  }
0x8e: {  	v17 =	vadd.s32 v12, v21;
	v12 =	vld [tilespmem:s19+$0x18D00];
	(xrf0) =	vadd.scan.msk.s32 $0xffff, v14  }
0x8f: {  	v15 =	vadd.s32 v17, v15;
	v14 =	vld [tilespmem:s19+$0x18C00];
	v16, _, _ =	vpop (xrf0)  }
0x90: {  	v17 =	vld [tilespmem:s19+$0x18B00];
	_ =	sdelay $0x4  }
0x91: {  	v16 =	vxor.u32 $0x80000000, v16;
	v18, _, _ =	vpop (xrf0);
	v15 =	vadd.s32 v15, v17  }
0x92: {  	v16 =	vadd.s32 v16, v18;
	v14 =	vadd.s32 v15, v14  }
0x93: {  	v15 =	vperm.xlane v16, v5;
	v12 =	vadd.s32 v14, v12  }
0x94: {  	v11 =	vadd.s32 v12, v11  }
0x95: {  	v12 =	vxor.u32 $0x80000000, v15;
	v10 =	vadd.s32 v11, v10  }
0x96: {  	(xrf0) =	vmax.scan.msk.u32 $0xffff, v12;
	v10 =	vadd.s32 v10, v13  }
0x97: {  	(xrf0) =	vadd.scan.msk.s32 $0xffff, v10;
	_ =	sdelay $0x4  }
0x98: {  	v10, _, _ =	vpop (xrf0)  }
0x99: {  	v10 =	vxor.u32 $0x80000000, v10;
	v11, _, _ =	vpop (xrf0)  }
0x9a: {  	v10 =	vadd.s32 v10, v11  }
0x9b: {  	vm2 =	vlt.s32 v16, v7;
	v11 =	vperm.xlane v10, v5  }
0x9c: {  	v12 =	vsel vm2, $0x1, v1;
	vm1 =	vlt.s32 v10, v7  }
0x9d: {  	v8 =	vadd.s32 v12, v8;
	v12 =	vsel vm1, $0x1, v1;
	v11 =	vxor.u32 $0x80000000, v11  }
0x9e: {  	v8 =	vadd.s32 v12, v8;
	(xrf0) =	vmax.scan.msk.u32 $0xffff, v11  }
0x9f: {  	(xrf0) =	vadd.scan.msk.s32 $0xffff, v8;
	_ =	sdelay $0x4  }
0xa0: {  	v8, _, _ =	vpop (xrf0)  }
0xa1: {  	v8, _, _ =	vpop (xrf0)  }
0xa2: {  	(v2sf) =	vpush v8, $0xF;
	_ =	sdelay $0xa  }
0xa3: {  	s30 =	simm.s32 $0x8020  }
0xa4: {  	v11 =	vld [tilespmem:s30+$0xFFFFFFE0]  }
0xa5: {  	v12 =	vld [tilespmem:s30+$0x10]  }
0xa6: {  	v13 =	vld [tilespmem:s30+$0x0]  }
0xa7: {  	v14 =	vld [tilespmem:s30+$0xFFFFFFF0];
	s20 =	spop (v2sf)  }
0xa8: {  	s22 =	simm.s32 $0x8060;
	v15 =	vnsel vm2, $0x0, v16;
	s19 =	sadd.s32 $0xFFFFFF80, s20  }
0xa9: {  	v18 =	vld [tilespmem:s22+$0x0];
	vm4 =	vgt.s32 v9, v15;
	v11 =	vshra.s32 v11, $0x18;
	v8 =	vmov s19  }
0xaa: {  	v16 =	vld [tilespmem:s22+$0xFFFFFFE0];
	v9 =	vsel vm4, v9, v15;
	vm3 =	veq.s32 v11, v8;
	v11 =	vshra.s32 v12, $0x18  }
0xab: {  	v13 =	vshra.s32 v13, $0x18;
	v12 =	vsel vm3, $0x1, v1;
	vm5 =	veq.s32 v11, v8  }
0xac: {  	vm2 =	veq.s32 v13, v8;
	v11 =	vshra.s32 v14, $0x18;
	v13 =	vsel vm5, $0x1, v1;
	(xrf0) =	vadd.scan.msk.s32 $0xffff, v12  }
0xad: {  	v10 =	vnsel vm1, $0x0, v10;
	vm6 =	veq.s32 v11, v8;
	v11 =	vsel vm2, $0x1, v1;
	(xrf0) =	vadd.scan.msk.s32 $0xffff, v13  }
0xae: {  	v18 =	vshra.s32 v18, $0x18;
	vm1 =	vgt.s32 v9, v10;
	v12 =	vsel vm6, $0x1, v1;
	(xrf0) =	vadd.scan.msk.s32 $0xffff, v11  }
0xaf: {  	v16 =	vshra.s32 v16, $0x18;
	v9 =	vsel vm1, v9, v10;
	v11 =	vmpcnt.ones.xlane vm3;
	(xrf0) =	vadd.scan.msk.s32 $0xffff, v12  }
0xb0: {  	vm2 =	vmmov vm2;
	v13 =	vmpcnt.ones.xlane vm6;
	v12 =	vimm.s32 $0x0  }
0xb1: {  	vm1 =	vmmov vm5;
	v10 =	vmpcnt.ones.xlane vm2;
	v11 =	vadd.s32 v12, v11  }
0xb2: {  	vm4 =	vmmov vm3;
	v15 =	vmpcnt.ones.xlane vm1;
	v13 =	vadd.s32 v11, v13;
	v14, _, _ =	vpop (xrf0)  }
0xb3: {  	vm3 =	vmmov vm6;
	v10 =	vadd.s32 v13, v10;
	v12 =	vadd.s32 v14, v12;
	v14, _, _ =	vpop (xrf0)  }
0xb4: {  	v12 =	vadd.s32 $0xFFFFFFFF, v12;
	v14 =	vadd.s32 v14, v10;
	v17, _, _ =	vpop (xrf0);
	v10 =	vadd.s32 v10, v15;
	v15 =	vld [tilespmem:s22+$0x10]  }
0xb5: {  	vm5 =	vgt.s32 v12, $0x0;
	v13 =	vadd.s32 v17, v13;
	v17, _, _ =	vpop (xrf0);
	v14 =	vadd.s32 $0xFFFFFFFF, v14  }
0xb6: {  	v11 =	vadd.s32 v17, v11;
	v13 =	vadd.s32 $0xFFFFFFFF, v13;
	vm6 =	vgt.s32 v14, $0x0;
	v17 =	vld [tilespmem:s22+$0xFFFFFFF0]  }
0xb7: {  	v19 =	vadd.s32 $0xFFFFFFFF, v11;
	vm7 =	vgt.s32 v13, $0x0;
	v11 =	vnsel vm6, $0x0, v14  }
0xb8: {  	v14 =	vnsel vm5, $0x0, v12;
	vm5 =	vgt.s32 v19, $0x0;
	v13 =	vnsel vm7, $0x0, v13  }
0xb9: {  	v12 =	vnsel vm5, $0x0, v19;
	vm5 =	veq.s32 v16, v8;
	v16 =	vshra.s32 v15, $0x18  }
0xba: {  	s21 =	simm.s32 $0x0;
	vm8 =	veq.s32 v18, v8;
	v19 =	vsel vm5, $0x1, v1;
	vm7 =	veq.s32 v16, v8  }
0xbb: {  	s31 =	simm.s32 $0x20;
	v15 =	vor.u32 s21, v0;
	v16 =	vshra.s32 v17, $0x18;
	v18 =	vsel vm7, $0x1, v1;
	(xrf0) =	vadd.scan.msk.s32 $0xffff, v19  }
0xbc: {  	s23 =	simm.s32 $0x4;
	s20 =	simm.s32 $0x40;
	v17 =	vsel vm8, $0x1, v1;
	vm6 =	veq.s32 v16, v8;
	(xrf0) =	vadd.scan.msk.s32 $0xffff, v18;
	v16 =	vor.u32 s31, v0  }
.LBB2_9:
0xbd: {  	s23 =	sadd.s32 $0x4, s23;
	v18 =	vmpcnt.ones.xlane vm5;
	v19 =	vsel vm6, $0x1, v1;
	(xrf0) =	vadd.scan.msk.s32 $0xffff, v17;
	[tilespmem:v14+s13+$0x0] =	vst.idx.msk vm4, v15;
	s24 =	sadd.s32 $0x10, s21;
	s21 =	sadd.s32 $0x30, s21  }
0xbe: {  	p0 =	slt.u32 s23, $0x7FC;
	(xrf0) =	vadd.scan.msk.s32 $0xffff, v19;
	v14 =	vor.u32 s24, v0;
	[tilespmem:v13+s13+$0x0] =	vst.idx.msk vm2, v16;
	v13 =	vor.u32 s21, v0;
	s21 =	smov.u32 s20  }
0xbf: {  	vm4 =	vmmov vm5;
	v16 =	vmpcnt.ones.xlane vm6;
	vm2 =	vmmov vm8;
	[tilespmem:v12+s13+$0x0] =	vst.idx.msk vm3, v14  }
0xc0: {  	v12 =	vadd.s32 v10, v18;
	v14 =	vmpcnt.ones.xlane vm2;
	[tilespmem:v11+s13+$0x0] =	vst.idx.msk vm1, v13;
	vm1 =	vmmov vm7  }
0xc1: {  	vm3 =	vmmov vm6;
	v11 =	vadd.s32 v12, v16;
	v18 =	vmpcnt.ones.xlane vm1;
	v15, _, _ =	vpop (xrf0)  }
0xc2: {  	s22 =	sadd.s32 $0x40, s22;
	v19 =	vadd.s32 v11, v14;
	v10 =	vadd.s32 v15, v10;
	v15, _, _ =	vpop (xrf0)  }
0xc3: {  	v16 =	vld [tilespmem:s22+$0xFFFFFFE0];
	v17 =	vadd.s32 $0xFFFFFFFF, v10;
	v15 =	vadd.s32 v15, v19;
	v10 =	vadd.s32 v19, v18;
	v13, _, _ =	vpop (xrf0)  }
0xc4: {  	v18 =	vld [tilespmem:s22+$0x10];
	vm5 =	vgt.s32 v17, $0x0;
	v11 =	vadd.s32 v13, v11;
	v13 =	vadd.s32 $0xFFFFFFFF, v15;
	v14, _, _ =	vpop (xrf0)  }
0xc5: {  	v19 =	vld [tilespmem:s22+$0x0];
	v12 =	vadd.s32 v14, v12;
	v15 =	vadd.s32 $0xFFFFFFFF, v11;
	vm6 =	vgt.s32 v13, $0x0  }
0xc6: {  	v20 =	vld [tilespmem:s22+$0xFFFFFFF0];
	v12 =	vadd.s32 $0xFFFFFFFF, v12;
	vm7 =	vgt.s32 v15, $0x0;
	v11 =	vnsel vm6, $0x0, v13  }
0xc7: {  	v14 =	vnsel vm5, $0x0, v17;
	vm5 =	vgt.s32 v12, $0x0;
	v13 =	vnsel vm7, $0x0, v15  }
.Ltmp5:
0xc8: {  	v15 =	vshra.s32 v16, $0x18;
	v12 =	vnsel vm5, $0x0, v12;
	(pc) =	sbr.rel @p0 .LBB2_9-.Ltmp5, $4  }
0xc9: {  	vm5 =	veq.s32 v15, v8;
	v16 =	vshra.s32 v18, $0x18;
	v15 =	vor.u32 s20, v0  }
0xca: {  	v17 =	vsel vm5, $0x1, v1;
	v18 =	vshra.s32 v19, $0x18;
	vm7 =	veq.s32 v16, v8  }
0xcb: {  	s24 =	sadd.s32 $0x20, s20;
	v16 =	vshra.s32 v20, $0x18;
	vm8 =	veq.s32 v18, v8;
	v18 =	vsel vm7, $0x1, v1;
	(xrf0) =	vadd.scan.msk.s32 $0xffff, v17  }
0xcc: {  	s20 =	sadd.s32 $0x40, s20;
	vm6 =	veq.s32 v16, v8;
	v17 =	vsel vm8, $0x1, v1;
	(xrf0) =	vadd.scan.msk.s32 $0xffff, v18;
	v16 =	vor.u32 s24, v0  }
0xcd: {  	v8 =	vmpcnt.ones.xlane vm5  }
0xce: {  	v18 =	vmpcnt.ones.xlane vm6;
	vm8 =	vmmov vm8  }
0xcf: {  	vm7 =	vmmov vm7;
	v19 =	vmpcnt.ones.xlane vm8;
	v8 =	vadd.s32 v10, v8  }
0xd0: {  	v20 =	vmpcnt.ones.xlane vm7;
	v18 =	vadd.s32 v8, v18  }
0xd1: {  	v21 =	vsel vm6, $0x1, v1;
	(xrf0) =	vadd.scan.msk.s32 $0xffff, v17;
	v54 =	vadd.s32 v18, v19  }
0xd2: {  	v9 =	vxor.u32 $0x80000000, v9;
	(xrf0) =	vadd.scan.msk.s32 $0xffff, v21;
	v19 =	vadd.s32 v54, v20  }
0xd3: {  	(xrf0) =	vmax.scan.msk.u32 $0xffff, v9;
	v9 =	vxor.u32 $0x80000000, v19;
	_ =	sdelay $0x1  }
0xd4: {  	(xrf0) =	vmax.scan.msk.u32 $0xffff, v9  }
0xd5: {  	v9, _, _ =	vpop (xrf0)  }
0xd6: {  	v55, _, _ =	vpop (xrf0)  }
0xd7: {  	v56, _, _ =	vpop (xrf0)  }
0xd8: {  	v21, _, _ =	vpop (xrf0)  }
0xd9: {  	v22, _, _ =	vpop (xrf0)  }
0xda: {  	(v2sf) =	vpush v22, $0xF;
	v57, _, _ =	vpop (xrf0)  }
0xdb: {  	(v2sf) =	vpush v57, $0xF;
	_ =	sdelay $0x9  }
0xdc: {  	vm9 =	vmmov vm5;
	vm12 =	vmmov vm6;
	v9 =	vadd.s32 v9, v10  }
0xdd: {  	v10 =	vadd.s32 v55, v54;
	v9 =	vadd.s32 $0xFFFFFFFF, v9;
	v58 =	vadd.s32 v56, v18  }
0xde: {  	vm13 =	vgt.s32 v9, $0x0;
	v10 =	vadd.s32 $0xFFFFFFFF, v10;
	v8 =	vadd.s32 v21, v8  }
0xdf: {  	[tilespmem:v13+s13+$0x0] =	vst.idx.msk vm2, v16;
	v9 =	vnsel vm13, $0x0, v9;
	vm2 =	vgt.s32 v10, $0x0;
	v8 =	vadd.s32 $0xFFFFFFFF, v8  }
0xe0: {  	s23 =	sadd.s32 $0x10, s21;
	v17 =	vadd.s32 $0xFFFFFFFF, v58;
	v10 =	vnsel vm2, $0x0, v10;
	vm15 =	vgt.s32 v8, $0x0;
	s22 =	spop (v2sf)  }
0xe1: {  	[tilespmem:v14+s13+$0x0] =	vst.idx.msk vm4, v15;
	s28 =	sadd.s32 $0x30, s21;
	v60 =	vor.u32 s23, v0;
	vm14 =	vgt.s32 v17, $0x0;
	v8 =	vnsel vm15, $0x0, v8;
	s29 =	spop (v2sf)  }
0xe2: {  	v61 =	vor.u32 s28, v0;
	[tilespmem:v12+s13+$0x0] =	vst.idx.msk vm3, v60;
	v59 =	vnsel vm14, $0x0, v17;
	s30 =	sxor.u32 $0x80000000, s29  }
0xe3: {  	s28 =	sadd.s32 $0x30, s20;
	[tilespmem:v11+s13+$0x0] =	vst.idx.msk vm1, v61;
	v11 =	vor.u32 s20, v0;
	v62 =	vadd.s32 s30, v0  }
.Ltmp6:
0xe4: {  	s25 =	sadd.s32 $0x10, s20;
	[tilespmem:v9+s13+$0x0] =	vst.idx.msk vm9, v11;
	v11 =	vor.u32 s28, v0;
	s31 =	sadd.s32 $0x8000000F, s29;
	(pc) =	sbr.rel .LBB2_11-.Ltmp6, $4  }
0xe5: {  	s24 =	sadd.s32 $0x20, s20;
	v9 =	vor.u32 s25, v0;
	[tilespmem:v10+s13+$0x0] =	vst.idx.msk vm7, v11;
	s22 =	sxor.u32 $0x80000000, s22;
	s26 =	sshll.u32 s31, $0x2  }
0xe6: {  	v63 =	vor.u32 s24, v0;
	[tilespmem:v8+s13+$0x0] =	vst.idx.msk vm12, v9;
	v8 =	vmov s22;
	s22 =	simm.s32 $0x0;
	s20 =	sshrl.u32 s31, $0x4;
	s29 =	sshra.s32 s26, $0x2  }
0xe7: {  	[tilespmem:v59+s13+$0x0] =	vst.idx.msk vm8, v63;
	s31 =	sshll.u32 s19, $0x18;
	s19 =	sand.u32 $0xFFFFFFE, s20;
	s30 =	sand.u32 $0xFFFFFFE0, s29  }
0xe8: {  	v9 =	vsub.s32 v7, v8;
	v8 =	vmov s31;
	p1 =	seq.s32 s19, $0x0;
	p0 =	seq.s32 s19, s20;
	s21 =	sadd.s32 $0x10080, s30;
	[tilespmem:v62+s13+$0x0] =	vst.idx.msk $0xffff, v6  }
.LBB2_14:
0xe9: {  	s22 =	sadd.s32 $0x1, s22  }
0xea: {  	p2 =	sne.s32 s22, $0x18  }
.Ltmp7:
0xeb: {  	_ = 	snop;
	(pc) =	sbr.rel @!p2 .LBB2_15-.Ltmp7, $3  }
0xec: {  	_ =	sdelay $0x1  }
0xed: {  	vm1 =	vlt.s32 v11, v9  }
0xee: {  	v8 =	vsel vm1, v10, v8  }
.LBB2_11:
.Ltmp8:
0xef: {  	(pc) =	sbr.rel @p1 .LBB2_12-.Ltmp8, $3  }
0xf0: {  	_ =	sdelay $0x1  }
0xf1: {  	s23 =	sshrl.u32 s14, s22  }
0xf2: {  	v11 =	vimm.s32 $0x0;
	v10 =	vadd.s32 s23, v8  }
0xf3: {  	p3 =	sgt.u32 s19, $0x2  }
.Ltmp9:
0xf4: {  	_ = 	snop;
	(pc) =	sbr.rel @!p3 .LBB2_22-.Ltmp9, $4  }
0xf5: {  	_ = 	snop  }
0xf6: {  	s23 =	simm.s32 $0x10090  }
0xf7: {  	v14 =	vld [tilespmem:s23+$0xFFFFFFF0]  }
0xf8: {  	s24 =	simm.s32 $0x100B0;
	p2 =	por $0x0, $0x0;
	v12 =	vld [tilespmem:s23+$0x0]  }
0xf9: {  	_ =	sdelay $0x6  }
0xfa: {  	v13 =	vld.idx.msk [tilespmem:v14+s15+$0x0], $0xffff  }
0xfb: {  	v14 =	vld [tilespmem:s24+$0xFFFFFFF0]  }
0xfc: {  	v16 =	vld.idx.msk [tilespmem:v12+s15+$0x0], $0xffff  }
0xfd: {  	p3 =	sgt.u32 s19, $0x4;
	v12 =	vld [tilespmem:s24+$0x0]  }
.Ltmp10:
0xfe: {  	_ = 	snop;
	(pc) =	sbr.rel @!p3 .LBB2_24-.Ltmp10, $3  }
0xff: {  	_ =	sdelay $0x1  }
0x100: {  	vm1 =	vlt.s32 v13, v10  }
0x101: {  	s23 =	simm.s32 $0x4;
	p2 =	por $0x1, $0x1;
	s24 =	simm.s32 $0x100D0;
	v13 =	vimm.s32 $0x0;
	v15 =	vmpcnt.ones.xlane vm1;
	vm1 =	vlt.s32 v16, v10  }
.LBB2_25:
0x102: {  	v16 =	vld [tilespmem:s24+$0xFFFFFFF0];
	v17 =	vmpcnt.ones.xlane vm1  }
0x103: {  	v18 =	vld.idx.msk [tilespmem:v14+s15+$0x0], $0xffff;
	v13 =	vadd.s32 v13, v15  }
0x104: {  	s23 =	sadd.s32 $0x2, s23;
	v19 =	vld.idx.msk [tilespmem:v12+s15+$0x0], $0xffff;
	v13 =	vadd.s32 v17, v13  }
0x105: {  	p3 =	slt.u32 s23, s19;
	v12 =	vld [tilespmem:s24+$0x0]  }
.Ltmp11:
0x106: {  	(pc) =	sbr.rel @p3 .LBB2_25-.Ltmp11, $3  }
0x107: {  	v14 =	vmov v16;
	_ =	sdelay $0x1  }
0x108: {  	vm1 =	vlt.s32 v18, v10  }
0x109: {  	s24 =	sadd.s32 $0x20, s24;
	v15 =	vmpcnt.ones.xlane vm1;
	vm1 =	vlt.s32 v19, v10  }
.LBB2_26:
0x10a: {  	_ =	sdelay $0x3  }
0x10b: {  	v14 =	vld.idx.msk [tilespmem:v14+s15+$0x0], $0xffff  }
0x10c: {  	v12 =	vld.idx.msk [tilespmem:v12+s15+$0x0], $0xffff;
	_ =	sdelay $0x2  }
0x10d: {  	v16 =	vmpcnt.ones.xlane @p2 vm1  }
0x10e: {  	v13 =	vadd.s32 @p2 v13, v15;
	vm1 =	vlt.s32 v14, v10  }
0x10f: {  	v13 =	vadd.s32 @p2 v16, v13;
	v14 =	vmpcnt.ones.xlane vm1;
	vm1 =	vlt.s32 v12, v10  }
0x110: {  	v11 =	vpsel p2, v13, v11;
	v12 =	vmpcnt.ones.xlane vm1  }
0x111: {  	v11 =	vadd.s32 v11, v14  }
0x112: {  	v11 =	vadd.s32 v12, v11  }
.LBB2_12:
.Ltmp12:
0x113: {  	(pc) =	sbr.rel @p0 .LBB2_14-.Ltmp12, $2  }
0x114: {  	_ =	sdelay $0x2  }
0x115: {  	s23 =	smov.u32 s21;
	s24 =	smov.u32 s19  }
.LBB2_13:
0x116: {  	v12 =	vld [tilespmem:s23+$0x0];
	_ =	sdelay $0x7  }
0x117: {  	v12 =	vld.idx.msk [tilespmem:v12+s15+$0x0], $0xffff;
	_ =	sdelay $0x1  }
0x118: {  	s24 =	sadd.s32 $0x1, s24  }
0x119: {  	p2 =	slt.u32 s24, s20  }
.Ltmp13:
0x11a: {  	_ = 	snop;
	(pc) =	sbr.rel @p2 .LBB2_13-.Ltmp13, $3  }
0x11b: {  	vm1 =	vlt.s32 v12, v10  }
0x11c: {  	v12 =	vmpcnt.ones.xlane vm1;
	_ =	sdelay $0x1  }
0x11d: {  	s23 =	sadd.s32 $0x10, s23;
	v11 =	vadd.s32 v11, v12  }
.Ltmp14:
0x11e: {  	_ = 	snop;
	(pc) =	sbr.rel .LBB2_14-.Ltmp14, $1  }
0x11f: {  	_ =	sdelay $0x3  }
.LBB2_22:
.Ltmp15:
0x120: {  	(pc) =	sbr.rel .LBB2_26-.Ltmp15, $2  }
0x121: {  	_ =	sdelay $0x2  }
0x122: {  	v13 =	vimm.s32 $0x0  }
.LBB2_24:
.Ltmp16:
0x123: {  	(pc) =	sbr.rel .LBB2_26-.Ltmp16, $2  }
0x124: {  	_ =	sdelay $0x2  }
0x125: {  	v13 =	vimm.s32 $0x0  }
.LBB2_15:
.Ltmp17:
0x126: {  	(pc) =	sbr.rel @p1 .LBB2_16-.Ltmp17, $2  }
0x127: {  	_ =	sdelay $0x2  }
0x128: {  	v10 =	vimm.s32 $0x0  }
0x129: {  	p2 =	sgt.u32 s19, $0x2  }
.Ltmp18:
0x12a: {  	_ = 	snop;
	(pc) =	sbr.rel @!p2 .LBB2_28-.Ltmp18, $4  }
0x12b: {  	_ = 	snop  }
0x12c: {  	s22 =	simm.s32 $0x10090  }
0x12d: {  	v13 =	vld [tilespmem:s22+$0xFFFFFFF0]  }
0x12e: {  	s23 =	simm.s32 $0x100B0;
	p1 =	por $0x0, $0x0;
	v11 =	vld [tilespmem:s22+$0x0]  }
0x12f: {  	_ =	sdelay $0x6  }
0x130: {  	v12 =	vld.idx.msk [tilespmem:v13+s15+$0x0], $0xffff  }
0x131: {  	v13 =	vld [tilespmem:s23+$0xFFFFFFF0]  }
0x132: {  	v15 =	vld.idx.msk [tilespmem:v11+s15+$0x0], $0xffff  }
0x133: {  	p2 =	sgt.u32 s19, $0x4;
	v11 =	vld [tilespmem:s23+$0x0]  }
.Ltmp19:
0x134: {  	_ = 	snop;
	(pc) =	sbr.rel @!p2 .LBB2_30-.Ltmp19, $3  }
0x135: {  	_ =	sdelay $0x1  }
0x136: {  	vm1 =	vlt.s32 v12, v8  }
0x137: {  	s22 =	simm.s32 $0x4;
	p1 =	por $0x1, $0x1;
	s23 =	simm.s32 $0x100D0;
	v12 =	vimm.s32 $0x0;
	v14 =	vmpcnt.ones.xlane vm1;
	vm1 =	vlt.s32 v15, v8  }
.LBB2_31:
0x138: {  	v15 =	vld [tilespmem:s23+$0xFFFFFFF0];
	v16 =	vmpcnt.ones.xlane vm1  }
0x139: {  	v17 =	vld.idx.msk [tilespmem:v13+s15+$0x0], $0xffff;
	v12 =	vadd.s32 v12, v14  }
0x13a: {  	s22 =	sadd.s32 $0x2, s22;
	v18 =	vld.idx.msk [tilespmem:v11+s15+$0x0], $0xffff;
	v12 =	vadd.s32 v16, v12  }
0x13b: {  	p2 =	slt.u32 s22, s19;
	v11 =	vld [tilespmem:s23+$0x0]  }
.Ltmp20:
0x13c: {  	(pc) =	sbr.rel @p2 .LBB2_31-.Ltmp20, $3  }
0x13d: {  	v13 =	vmov v15;
	_ =	sdelay $0x1  }
0x13e: {  	vm1 =	vlt.s32 v17, v8  }
0x13f: {  	s23 =	sadd.s32 $0x20, s23;
	v14 =	vmpcnt.ones.xlane vm1;
	vm1 =	vlt.s32 v18, v8  }
.LBB2_32:
0x140: {  	_ =	sdelay $0x3  }
0x141: {  	v13 =	vld.idx.msk [tilespmem:v13+s15+$0x0], $0xffff  }
0x142: {  	v11 =	vld.idx.msk [tilespmem:v11+s15+$0x0], $0xffff;
	_ =	sdelay $0x2  }
0x143: {  	v15 =	vmpcnt.ones.xlane @p1 vm1  }
0x144: {  	v12 =	vadd.s32 @p1 v12, v14;
	vm1 =	vlt.s32 v13, v8  }
0x145: {  	v12 =	vadd.s32 @p1 v15, v12;
	v13 =	vmpcnt.ones.xlane vm1;
	vm1 =	vlt.s32 v11, v8  }
0x146: {  	v10 =	vpsel p1, v12, v10;
	v11 =	vmpcnt.ones.xlane vm1  }
0x147: {  	v10 =	vadd.s32 v10, v13  }
0x148: {  	v10 =	vadd.s32 v11, v10  }
.LBB2_16:
.Ltmp21:
0x149: {  	(pc) =	sbr.rel @p0 .LBB2_18-.Ltmp21, $1  }
0x14a: {  	_ =	sdelay $0x3  }
.LBB2_17:
0x14b: {  	v11 =	vld [tilespmem:s21+$0x0];
	_ =	sdelay $0x7  }
0x14c: {  	v11 =	vld.idx.msk [tilespmem:v11+s15+$0x0], $0xffff;
	_ =	sdelay $0x1  }
0x14d: {  	s19 =	sadd.s32 $0x1, s19  }
0x14e: {  	p0 =	slt.u32 s19, s20  }
.Ltmp22:
0x14f: {  	_ = 	snop;
	(pc) =	sbr.rel @p0 .LBB2_17-.Ltmp22, $3  }
0x150: {  	vm1 =	vlt.s32 v11, v8  }
0x151: {  	v11 =	vmpcnt.ones.xlane vm1;
	_ =	sdelay $0x1  }
0x152: {  	s21 =	sadd.s32 $0x10, s21;
	v10 =	vadd.s32 v10, v11  }
.LBB2_18:
0x153: {  	p0 =	seq.s32 s20, $0x0  }
.Ltmp23:
0x154: {  	_ = 	snop;
	(pc) =	sbr.rel @p0 .LBB2_33-.Ltmp23, $1  }
0x155: {  	_ =	sdelay $0x3  }
0x156: {  	p3 =	sne.s32 s20, $0x1  }
.Ltmp24:
0x157: {  	_ = 	snop;
	(pc) =	sbr.rel @!p3 .LBB2_20-.Ltmp24, $3  }
0x158: {  	_ =	sdelay $0x1  }
0x159: {  	s21 =	simm.s32 $0x10080;
	s19 =	sadd.s32 $0xFFFFFFFF, s20  }
0x15a: {  	v10 =	vsub.s32 v9, v10;
	v11 =	vimm.s32 $0x0;
	v9 =	vimm.s32 $0xFFFFFFFF;
	p0 =	por $0x0, $0x0;
	p1 =	por $0x0, $0x0;
	p2 =	por $0x0, $0x0;
	v12 =	vld [tilespmem:s21+$0x0]  }
0x15b: {  	_ =	sdelay $0x2  }
0x15c: {  	p3 =	sne.s32 s19, $0x1  }
.Ltmp25:
0x15d: {  	_ = 	snop;
	(pc) =	sbr.rel @!p3 .LBB2_35-.Ltmp25, $4  }
0x15e: {  	_ = 	snop  }
0x15f: {  	s20 =	simm.s32 $0x10090  }
0x160: {  	v13 =	vld [tilespmem:s20+$0x0]  }
0x161: {  	s19 =	sadd.s32 $0xFFFFFFFF, s19;
	p0 =	por $0x1, $0x1;
	v15 =	vld.idx.msk [tilespmem:v12+s15+$0x0], $0xffff  }
0x162: {  	_ =	sdelay $0x1  }
0x163: {  	p3 =	sne.s32 s19, $0x1  }
.Ltmp26:
0x164: {  	_ = 	snop;
	(pc) =	sbr.rel @!p3 .LBB2_37-.Ltmp26, $4  }
0x165: {  	_ = 	snop  }
0x166: {  	s20 =	simm.s32 $0x100A0;
	vm1 =	veq.s32 v15, v8  }
0x167: {  	v18 =	vld [tilespmem:s20+$0x0];
	v14 =	vsel vm1, $0x1, v1  }
0x168: {  	p1 =	por $0x1, $0x1;
	s20 =	sadd.s32 $0xFFFFFFFF, s19;
	v15 =	vld.idx.msk [tilespmem:v13+s15+$0x0], $0xffff;
	(xrf0) =	vadd.scan.msk.s32 $0xffff, v14  }
0x169: {  	_ =	sdelay $0x4  }
0x16a: {  	p3 =	sne.s32 s20, $0x1;
	v14, _, _ =	vpop (xrf0)  }
.Ltmp27:
0x16b: {  	vm3 =	veq.s32 v15, v8;
	v14 =	vadd.s32 v11, v14;
	(pc) =	sbr.rel @!p3 .LBB2_39-.Ltmp27, $4  }
0x16c: {  	vm2 =	vmmov vm1;
	vm4 =	vle.s32 v14, v10;
	v14 =	vsel vm3, $0x1, v1  }
0x16d: {  	vm4 =	vmand vm2, vm4;
	(xrf0) =	vadd.scan.msk.s32 $0xffff, v14  }
0x16e: {  	s19 =	simm.s32 $0x100B0;
	v15 =	vld.idx.msk [tilespmem:v18+s15+$0x0], $0xffff;
	v17 =	vnsel vm4, $0xFFFFFFFF, v12  }
0x16f: {  	s20 =	sadd.s32 $0xFFFFFFFF, s20;
	p2 =	por $0x1, $0x1;
	v16 =	vimm.s32 $0xFFFFFFFF;
	v19 =	vimm.s32 $0x0;
	v14 =	vld [tilespmem:s19+$0x0];
	vm4 =	vgt.s32 v9, v17  }
.LBB2_40:
0x170: {  	p3 =	sne.s32 s20, $0x1;
	v16 =	vsel vm4, v16, v17  }
0x171: {  	v17 =	vmpcnt.ones.xlane vm2;
	vm2 =	vmmov vm3;
	_ =	sdelay $0x1  }
0x172: {  	v19 =	vadd.s32 v19, v17;
	v20, _, _ =	vpop (xrf0)  }
.Ltmp28:
0x173: {  	vm3 =	veq.s32 v15, v8;
	v15 =	vadd.s32 v19, v20;
	(pc) =	sbr.rel @p3 .LBB2_40-.Ltmp28, $4  }
0x174: {  	v17 =	vsel vm3, $0x1, v1;
	vm4 =	vle.s32 v15, v10  }
0x175: {  	(xrf0) =	vadd.scan.msk.s32 $0xffff, v17;
	vm4 =	vmand vm2, vm4  }
0x176: {  	s19 =	sadd.s32 $0x10, s19;
	v15 =	vld.idx.msk [tilespmem:v14+s15+$0x0], $0xffff;
	v17 =	vnsel vm4, $0xFFFFFFFF, v13;
	v13 =	vmov v18;
	v18 =	vmov v14  }
0x177: {  	s20 =	sadd.s32 $0xFFFFFFFF, s20;
	v14 =	vld [tilespmem:s19+$0x0];
	vm4 =	vgt.s32 v16, v17  }
0x178: {  	v20 =	vmov v13;
	v13 =	vmov v18  }
.LBB2_42:
0x179: {  	_ =	sdelay $0x5  }
0x17a: {  	v18 =	vmpcnt.ones.xlane @p2 vm2  }
0x17b: {  	vm2 =	veq.s32 @p0 v15, v8;
	v61 =	vld.idx.msk [tilespmem:v14+s15+$0x0], $0xffff  }
0x17c: {  	v18 =	vadd.s32 @p2 v19, v18;
	v19 =	vsel @p0 vm2, $0x1, v1;
	_ =	sdelay $0x1  }
0x17d: {  	vm3 =	vmmov @p1 vm3;
	(xrf0) =	vadd.scan.msk.s32 @p0 $0xffff, v19  }
0x17e: {  	vm6 =	vmmov @p1 vm3;
	v18 =	vpsel p2, v18, v11;
	v19, _, _ =	vpop @p1 (xrf0)  }
0x17f: {  	v15 =	vsel @p2 vm4, v16, v17;
	v19 =	vadd.s32 @p1 v18, v19;
	vm15 =	veq.s32 v61, v8  }
0x180: {  	vm5 =	vle.s32 @p1 v19, v10;
	v19 =	vmpcnt.ones.xlane @p1 vm6;
	v62 =	vsel vm15, $0x1, v1  }
0x181: {  	v12 =	vpsel p0, v13, v12;
	v15 =	vpsel p2, v15, v9;
	vm1 =	vmmov @p0 vm2;
	(xrf0) =	vadd.scan.msk.s32 $0xffff, v62  }
0x182: {  	vm1 =	vmmov @p0 vm1;
	vm3 =	vmand @p1 vm3, vm5;
	v18 =	vadd.s32 @p1 v18, v19  }
0x183: {  	v16 =	vnsel @p1 vm3, $0xFFFFFFFF, v20;
	v17, _, _ =	vpop @p0 (xrf0);
	vm3 =	vmmov @p0 vm1;
	v18 =	vpsel p1, v18, v11  }
0x184: {  	vm2 =	vgt.s32 @p1 v15, v16;
	v19 =	vmpcnt.ones.xlane @p0 vm3;
	v17 =	vadd.s32 @p0 v18, v17  }
0x185: {  	v16 =	vpsel p1, v16, v0;
	vm2 =	vmmov @p1 vm2;
	vm3 =	vle.s32 @p0 v17, v10  }
0x186: {  	v13 =	vsel @p1 vm2, v15, v16;
	v15 =	vadd.s32 @p0 v18, v19;
	vm1 =	vmand @p0 vm1, vm3  }
0x187: {  	v13 =	vpsel p1, v13, v9;
	v11 =	vpsel p0, v15, v11;
	v12 =	vnsel @p0 vm1, $0xFFFFFFFF, v12;
	v63, _, _ =	vpop (xrf0)  }
0x188: {  	vm2 =	vmmov vm15;
	vm1 =	vgt.s32 @p0 v13, v12;
	v11 =	vadd.s32 v11, v63  }
0x189: {  	v12 =	vpsel p0, v12, v0;
	vm1 =	vmmov @p0 vm1;
	vm3 =	vle.s32 v11, v10  }
.Ltmp29:
0x18a: {  	v10 =	vsel @p0 vm1, v13, v12;
	vm1 =	vmand vm2, vm3;
	(pc) =	sbr.rel .LBB2_43-.Ltmp29, $4  }
0x18b: {  	v9 =	vpsel p0, v10, v9;
	v11 =	vnsel vm1, $0xFFFFFFFF, v14  }
0x18c: {  	vm1 =	vgt.s32 v9, v11  }
0x18d: {  	v9 =	vsel vm1, v9, v11  }
0x18e: {  	v9 =	vxor.u32 $0x80000000, v9  }
.LBB2_33:
0x18f: {  	v9 =	vimm.s32 $0x7FFFFFFF  }
.LBB2_43:
0x190: {  	(xrf0) =	vmax.scan.msk.u32 $0xffff, v9;
	_ =	sdelay $0x5  }
0x191: {  	v9, _, _ =	vpop (xrf0)  }
0x192: {  	v9 =	vxor.u32 $0x80000000, v9  }
0x193: {  	v9 =	vperm.xlane v9, v5;
	_ =	sdelay $0x1  }
0x194: {  	v9 =	vxor.u32 $0x80000000, v9  }
0x195: {  	(xrf0) =	vmax.scan.msk.u32 $0xffff, v9;
	_ =	sdelay $0x2  }
0x196: {  	s21 =	simm.s32 $0x8020  }
0x197: {  	v12 =	vld [tilespmem:s21+$0x10]  }
0x198: {  	v11 =	vld [tilespmem:s21+$0x0]  }
0x199: {  	s19 =	simm.s32 $0x0;
	s20 =	simm.s32 $0x20;
	v8 =	vnsel vm0, $0x80000000, v8;
	s22 =	simm.s32 $0x10;
	v9 =	vld [tilespmem:s21+$0xFFFFFFF0];
	v10, _, _ =	vpop (xrf0)  }
0x19a: {  	s23 =	simm.s32 $0x20;
	s24 =	simm.s32 $0x30;
	v14 =	vor.u32 s19, v0;
	v15 =	vld [tilespmem:s20+$0x10];
	v13 =	vor.u32 s22, v0;
	v10 =	vxor.u32 $0x80000000, v10  }
0x19b: {  	v16 =	vld [tilespmem:s21+$0xFFFFFFE0];
	v17 =	vor.u32 s23, v0;
	v18 =	vor.u32 s24, v0;
	v10 =	vnsel vm0, $0xFFFFFFFF, v10  }
0x19c: {  	vm2 =	veq.s32 v12, v8;
	vm5 =	vlt.s32 v12, v8;
	v12 =	vld [tilespmem:s20+$0xFFFFFFE0];
	vm3 =	vle.s32 v18, v10  }
0x19d: {  	vm6 =	veq.s32 v11, v8;
	vm1 =	vle.s32 v13, v10;
	v13 =	vld [tilespmem:s20+$0xFFFFFFF0];
	vm2 =	vmand vm3, vm2  }
0x19e: {  	vm4 =	veq.s32 v9, v8;
	vm3 =	vle.s32 v14, v10;
	v14 =	vld [tilespmem:s20+$0x0];
	vm2 =	vmor vm5, vm2  }
0x19f: {  	vm7 =	vle.s32 v17, v10;
	vm1 =	vmand vm1, vm4;
	v15 =	vnsel vm2, $0xFF800000, v15  }
0x1a0: {  	s22 =	simm.s32 $0x0;
	s23 =	simm.s32 $0x8060;
	s21 =	simm.s32 $0x20;
	vm4 =	vlt.s32 v16, v8;
	vm5 =	veq.s32 v16, v8;
	vm2 =	vmand vm7, vm6;
	[tilespmem:s20+$0x10] =	vst v15  }
.LBB2_44:
0x1a1: {  	v15 =	vld [tilespmem:s23+$0x10];
	s22 =	sadd.s32 $0x4, s22;
	vm3 =	vmand vm3, vm5;
	vm5 =	vlt.s32 v9, v8;
	vm6 =	vlt.s32 v11, v8  }
0x1a2: {  	v9 =	vld [tilespmem:s23+$0xFFFFFFF0];
	p0 =	slt.u32 s22, $0x7FC;
	vm3 =	vmor vm4, vm3;
	vm1 =	vmor vm5, vm1;
	vm2 =	vmor vm6, vm2  }
0x1a3: {  	s19 =	sadd.s32 $0x40, s19;
	s20 =	sadd.s32 $0x40, s20;
	v11 =	vld [tilespmem:s23+$0x0];
	v12 =	vnsel vm3, $0xFF800000, v12;
	v13 =	vnsel vm1, $0xFF800000, v13;
	v14 =	vnsel vm2, $0xFF800000, v14  }
0x1a4: {  	v16 =	vor.u32 s19, v0;
	s24 =	sadd.s32 $0x10, s19;
	s25 =	sadd.s32 $0x20, s19;
	s26 =	sadd.s32 $0x30, s19;
	v17 =	vld [tilespmem:s20+$0x10];
	[tilespmem:s21+$0xFFFFFFE0] =	vst v12  }
0x1a5: {  	v19 =	vor.u32 s24, v0;
	v20 =	vor.u32 s25, v0;
	v21 =	vor.u32 s26, v0;
	v18 =	vld [tilespmem:s23+$0xFFFFFFE0]  }
.Ltmp30:
0x1a6: {  	vm1 =	vle.s32 v19, v10;
	vm3 =	vle.s32 v21, v10;
	v12 =	vld [tilespmem:s20+$0xFFFFFFE0];
	vm2 =	veq.s32 v15, v8;
	[tilespmem:s21+$0xFFFFFFF0] =	vst v13;
	(pc) =	sbr.rel @p0 .LBB2_44-.Ltmp30, $4  }
0x1a7: {  	vm5 =	vlt.s32 v15, v8;
	vm4 =	veq.s32 v9, v8;
	v13 =	vld [tilespmem:s20+$0xFFFFFFF0];
	vm2 =	vmand vm3, vm2;
	[tilespmem:s21+$0x0] =	vst v14;
	s21 =	smov.u32 s20  }
0x1a8: {  	vm7 =	vle.s32 v20, v10;
	vm6 =	veq.s32 v11, v8;
	v14 =	vld [tilespmem:s20+$0x0];
	vm2 =	vmor vm5, vm2  }
0x1a9: {  	vm3 =	vle.s32 v16, v10;
	vm1 =	vmand vm1, vm4;
	v15 =	vnsel vm2, $0xFF800000, v17  }
0x1aa: {  	s23 =	sadd.s32 $0x40, s23;
	vm2 =	vmand vm7, vm6;
	vm4 =	vlt.s32 v18, v8;
	vm5 =	veq.s32 v18, v8;
	[tilespmem:s20+$0x10] =	vst v15  }
0x1ab: {  	vm3 =	vmand vm3, vm5  }
0x1ac: {  	vm14 =	vlt.s32 v9, v8;
	vm3 =	vmor vm4, vm3  }
0x1ad: {  	vm15 =	vlt.s32 v11, v8;
	vm1 =	vmor vm14, vm1;
	v8 =	vnsel vm3, $0xFF800000, v12  }
0x1ae: {  	vm2 =	vmor vm15, vm2;
	v63 =	vnsel vm1, $0xFF800000, v13;
	[tilespmem:s21+$0xFFFFFFE0] =	vst v8  }
0x1af: {  	s17 =	sadd.s32 $0x1, s17;
	v8 =	vnsel vm2, $0xFF800000, v14;
	[tilespmem:s21+$0xFFFFFFF0] =	vst v63  }
0x1b0: {  	s18 =	sadd.s32 s2, s18;
	p0 =	sne.s32 s17, $0x4;
	[tilespmem:s21+$0x0] =	vst v8  }
0x1b1: {  	[hbm4b:s18+s11] =	stream.strided.scatter [tilespmem:s3], [sflag:$0x1], $0x8000, s10, s11, $0x38;
	[tilespmem:$0x19180] =	vst v63  }
.Ltmp31:
0x1b2: {  	_ = 	snop;
	(pc) =	sbr.rel @p0 .LBB2_2-.Ltmp31, $4  }
.Ltmp32:
0x1b3: {  	_ = 	snop;
	(pc) =	sbr.rel @!p0 .LBB2_46-.Ltmp32, $4  }
0x1b4: {  	_ =	swait.ge [sflag:s9], $0x8000  }
0x1b5: {  	[sflag:s9] =	ssyncset.done $0x0  }
0x1b6: {  	[sflag:s9] =	ssyncadd.s32 $0xFFFF8000  }
0x1b7: {  	_ = 	snop  }
.LBB2_28:
.Ltmp33:
0x1b8: {  	(pc) =	sbr.rel .LBB2_32-.Ltmp33, $2  }
0x1b9: {  	_ =	sdelay $0x2  }
0x1ba: {  	v12 =	vimm.s32 $0x0  }
.LBB2_20:
.Ltmp34:
0x1bb: {  	_ = 	snop;
	(pc) =	sbr.rel .LBB2_42-.Ltmp34, $2  }
0x1bc: {  	_ =	sdelay $0x2  }
0x1bd: {  	v16 =	vimm.s32 $0xFFFFFFFF;
	v19 =	vimm.s32 $0x0;
	v14 =	vmov v12  }
.LBB2_30:
.Ltmp35:
0x1be: {  	(pc) =	sbr.rel .LBB2_32-.Ltmp35, $2  }
0x1bf: {  	_ =	sdelay $0x2  }
0x1c0: {  	v12 =	vimm.s32 $0x0  }
.LBB2_35:
.Ltmp36:
0x1c1: {  	(pc) =	sbr.rel .LBB2_42-.Ltmp36, $2  }
0x1c2: {  	_ =	sdelay $0x2  }
0x1c3: {  	v16 =	vimm.s32 $0xFFFFFFFF;
	v19 =	vimm.s32 $0x0;
	v14 =	vmovc v13;
	v13 =	vmov v12  }
.LBB2_37:
.Ltmp37:
0x1c4: {  	(pc) =	sbr.rel .LBB2_42-.Ltmp37, $2  }
0x1c5: {  	_ =	sdelay $0x2  }
0x1c6: {  	v16 =	vimm.s32 $0xFFFFFFFF;
	vm3 =	vmmov vm1;
	v19 =	vimm.s32 $0x0;
	v20 =	vmovc v12;
	v14 =	vmovc v18  }
.LBB2_39:
.Ltmp38:
0x1c7: {  	(pc) =	sbr.rel .LBB2_42-.Ltmp38, $2  }
0x1c8: {  	_ =	sdelay $0x2  }
0x1c9: {  	v20 =	vmovc v13;
	v16 =	vimm.s32 $0xFFFFFFFF;
	v19 =	vimm.s32 $0x0;
	v13 =	vmov v18  }
.LBB2_47:
0x1ca: {  	_ =	sfence.sel $0x180000  }
0x1cb: {  	[bflag:$0x0] =	sbarrier.arrive $0xFFFF  }
0x1cc: {  	p0 =	sne.s32 s4, $0x0;
	_ =	strace $0x90000047  }
0x1cd: {  	s0 =	sadd.s32 @!p0 $0x100000, s0;
	[bflag:$0x2] =	sbarrier.arrive $0xFFFF  }
0x1ce: {  	[sflag:s0] =	ssyncadd.tile.s32 @!p0 $0x1;
	_ =	shalt  }
.Lfunc_end2:
_tile_overlayer_lowered:
.L_overlay_start_2:
0x1cf: {  	(tag) =	ssettag $0x2  }
0x1d0: {  	s0 =	rddreg [dreg:$0x0];
	s2 =	stileid.u32  }
0x1d1: {  	s1 =	rddreg [dreg:$0x1];
	p0 =	sne.s32 s2, $0x0  }
0x1d2: {  	s3 =	rddreg [dreg:$0x2];
	[bflag:$0x3] =	sbarrier.arrive $0xFFFF;
	s2 =	simm.s32 @!p0 $0x1C01  }
0x1d3: {  	[timem:s3], [sflag:s2] =	dma.local @!p0 [hbm:s0], s1  }
0x1d4: {  	s0 =	simm.s32 @!p0 $0x1  }
0x1d5: {  	_ =	swait.ge @!p0 [sflag:s0], s1  }
0x1d6: {  	s1 =	ssub.s32 @!p0 $0x0, s1;
	[sflag:s0] =	ssyncset.done @!p0 $0x0  }
0x1d7: {  	[sflag:s0] =	ssyncadd.s32 @!p0 s1  }
0x1d8: {  	[bflag:$0x3] =	sbarrier.arrive $0xFFFF  }
0x1d9: {  	_ =	shalt  }

</sc_bundles>
